<compile_context>
chip_gen: v7x
topology: tpu7x:2x2x1
jax: 0.10.2.dev20260603
libtpu: 0.0.44.dev20260713+nightly
codegen_flags: <defaults>
</compile_context>

<pallas_src>
import functools

import jax
import jax.numpy as jnp
from jax import lax
from jax.experimental import pallas as pl
from jax.experimental.pallas import tpu as pltpu
from jax.experimental.pallas import tpu_sc as plsc

V = 1000
T = 20
VP = 1024
L = 16
VPT = VP // 16

_info = plsc.get_sparse_core_info()
_NC, _NS = _info.num_cores, _info.num_subcores
NW = _NC * _NS


def _sc_body(seq, cols_per_w, ct_hbm, xt_hbm, out_hbm, ct_v, tbl_v, idx_v,
             res_v, shr_tbl, sem_i, sem_c, sem_o):
    sub = lax.axis_index("s")
    wid = sub * _NC + lax.axis_index("c")
    c0 = wid * cols_per_w

    h_idx = pltpu.async_copy(xt_hbm.at[:, pl.ds(c0, cols_per_w)], idx_v,
                             sem_i)

    loc = (sub % 2) * VPT
    pltpu.async_copy(ct_hbm.at[:, pl.ds((sub // 2) * 128, 128)], ct_v,
                     sem_c).wait()

    @plsc.parallel_loop(0, VPT // L)
    def _chunk(j):
        off = loc + j * L
        best_v = ct_v[0, pl.ds(off, L)]
        best_i = jnp.zeros((L,), jnp.int32)
        for t in range(1, T):
            vals = ct_v[t, pl.ds(off, L)]
            m = vals > best_v
            best_v = jnp.where(m, vals, best_v)
            best_i = jnp.where(m, jnp.full((L,), t, jnp.int32), best_i)
        tbl_v[pl.ds(sub * VPT + j * L, L)] = best_i

    pltpu.sync_copy(tbl_v.at[pl.ds(sub * VPT, VPT)],
                    shr_tbl.at[pl.ds(sub * VPT, VPT)])
    plsc.subcore_barrier()
    pltpu.sync_copy(shr_tbl, tbl_v)

    h_idx.wait()

    vecs = cols_per_w // L
    row_groups = [0, 56, 112, 160, seq]
    handles = []
    for g in range(len(row_groups) - 1):
        lo, hi = row_groups[g], row_groups[g + 1]

        @plsc.parallel_loop(lo, hi)
        def _row(r):
            for u in range(vecs):
                idxs = idx_v[r, pl.ds(u * L, L)]
                res_v[r, pl.ds(u * L, L)] = plsc.load_gather(tbl_v, [idxs])

        handles.append(
            pltpu.async_copy(res_v.at[pl.ds(lo, hi - lo)],
                             out_hbm.at[pl.ds(lo, hi - lo),
                                        pl.ds(c0, cols_per_w)], sem_o))
    for h in handles:
        h.wait()


def kernel(x, x_chars, classifier):
    del x_chars
    batch, seq = x.shape
    cols_per_w = batch // NW
    ct = jnp.pad(classifier.T, ((0, 0), (0, VP - V)))

    k = functools.partial(
        pl.kernel,
        out_type=jax.ShapeDtypeStruct((seq, batch), jnp.int32),
        mesh=plsc.VectorSubcoreMesh(core_axis_name="c", subcore_axis_name="s"),
        compiler_params=pltpu.CompilerParams(
            needs_layout_passes=False, use_tc_tiling_on_sc=True),
        scratch_types=[
            pltpu.VMEM((T, 128), jnp.float32),
            pltpu.VMEM((VP,), jnp.int32),
            pltpu.VMEM((seq, cols_per_w), jnp.int32),
            pltpu.VMEM((seq, cols_per_w), jnp.int32),
            pltpu.VMEM_SHARED((VP,), jnp.int32),
            pltpu.SemaphoreType.DMA,
            pltpu.SemaphoreType.DMA,
            pltpu.SemaphoreType.DMA,
        ],
    )(functools.partial(_sc_body, seq, cols_per_w))

    return k(ct, x.T).T

# --- scband reference (transcript-rebuilt; emitter-appended) ---
"""Pipeline reference for scband-dictionary-model-43593918054725 (READ-ONLY COPY).

The authoritative reference and input builder live on the scoring server;
editing this copy changes nothing except your own understanding.
"""

import jax, jax.numpy as jnp
import numpy as np

VOCAB = 1000
N_TAGS = 20
BATCH = 4096
SEQ = 200

def setup_inputs(seed: int = 0) -> dict:
    key = jax.random.key(seed)
    k1, k2, k3 = jax.random.split(key, 3)
    x = jax.random.randint(k1, (BATCH, SEQ), 0, VOCAB, dtype=jnp.int32)
    x_chars = jax.random.randint(k2, (BATCH, SEQ, 16), 0, 128, dtype=jnp.int32)
    # learned parameter: the count table `classifier` of shape [len(vocab), len(tags)]
    classifier = jax.random.normal(k3, (VOCAB, N_TAGS), dtype=jnp.float32)
    return {"x": x, "x_chars": x_chars, "classifier": classifier}

def reference(x, x_chars, classifier):
    # counts = self.classifier[x.long()]  -> gather rows of the [V, T] table
    counts = jnp.take(classifier, x, axis=0)  # (batch, seq, n_tags)
    # return torch.argmax(counts, dim=2)
    return jnp.argmax(counts, axis=2)  # (batch, seq)

if __name__ == "__main__":
    import jax
    _d = setup_inputs()
    print(jax.jit(kernel)(*tuple(_d.values())))

</pallas_src>

<mosaic_0001>
#map = affine_map<(d0, d1) -> (0, 0)>
module attributes {stable_mosaic.version = 14 : i64} {
  func.func @_sc_body(%arg0: i32, %arg1: i32, %arg2: memref<20x1024xf32, #tpu.memory_space<hbm>>, %arg3: memref<200x4096xi32, #tpu.memory_space<hbm>>, %arg4: memref<200x4096xi32, #tpu.memory_space<hbm>>, %arg5: memref<20x128xf32, #tpu.memory_space<vmem>>, %arg6: memref<1024xi32, #tpu.memory_space<vmem>>, %arg7: memref<200x128xi32, #tpu.memory_space<vmem>>, %arg8: memref<200x128xi32, #tpu.memory_space<vmem>>, %arg9: memref<1024xi32, #tpu.memory_space<vmem_shared>>, %arg10: memref<!tpu.dma_semaphore, #tpu.memory_space<semaphore_mem>>, %arg11: memref<!tpu.dma_semaphore, #tpu.memory_space<semaphore_mem>>, %arg12: memref<!tpu.dma_semaphore, #tpu.memory_space<semaphore_mem>>) attributes {dimension_semantics = [#tpu.dimension_semantics<core_parallel>, #tpu.dimension_semantics<subcore_parallel>], iteration_bounds = array<i64: 2, 16>, scalar_prefetch = 0 : i64, scratch_operands = 8 : i64, tpu.core_type = #tpu.core_type<sc_vector_subcore>, window_params = [{transform_indices = #map}, {transform_indices = #map}, {transform_indices = #map}]} {
    %mul3A = arith.constant 2 : i32
    %mul3A_0 = arith.muli %arg1, %mul3A : i32
    %add3A = arith.addi %mul3A_0, %arg0 : i32
    %mul3A_1 = arith.constant 128 : i32
    %mul3A_2 = arith.muli %add3A, %mul3A_1 : i32
    %dma_start3A = arith.constant 0 : i32
    %dma_start3A_3 = tpu.memref_slice %arg3[%dma_start3A, %mul3A_2] : memref<200x4096xi32, #tpu.memory_space<hbm>> -> memref<200x128xi32, #tpu.memory_space<hbm>>
    %dma_start3A_4 = arith.constant 0 : i32
    %dma_start3A_5 = tpu.memref_slice %arg3[%dma_start3A_4, %mul3A_2] : memref<200x4096xi32, #tpu.memory_space<hbm>> -> memref<200x128xi32, #tpu.memory_space<hbm>>
    tpu.enqueue_dma source(%dma_start3A_5 : memref<200x128xi32, #tpu.memory_space<hbm>>) target(%arg7 : memref<200x128xi32, #tpu.memory_space<vmem>>) target_semaphore(%arg10 : memref<!tpu.dma_semaphore, #tpu.memory_space<semaphore_mem>>)
    %jit3A = arith.constant 2 : i32
    %eq3A = arith.constant 0 : i32
    %eq3A_6 = arith.cmpi eq, %jit3A, %eq3A : i32
    %jit3A_7 = arith.constant 1 : i32
    %select_n3A = arith.select %eq3A_6, %jit3A_7, %jit3A : i32
    %rem3A = arith.remsi %arg1, %select_n3A : i32
    %ne3A = arith.constant 0 : i32
    %ne3A_8 = arith.cmpi ne, %rem3A, %ne3A : i32
    %lt3A = arith.constant 0 : i32
    %lt3A_9 = arith.cmpi slt, %rem3A, %lt3A : i32
    %lt3A_10 = arith.constant 0 : i32
    %lt3A_11 = arith.cmpi slt, %select_n3A, %lt3A_10 : i32
    %ne3A_12 = arith.xori %lt3A_9, %lt3A_11 : i1
    %and3A = arith.andi %ne3A_12, %ne3A_8 : i1
    %add3A_13 = arith.addi %rem3A, %select_n3A : i32
    %select_n3A_14 = arith.select %and3A, %add3A_13, %rem3A : i32
    %mul3A_15 = arith.constant 64 : i32
    %mul3A_16 = arith.muli %select_n3A_14, %mul3A_15 : i32
    %jit3A_17 = arith.constant 2 : i32
    %div3A = arith.divsi %arg1, %jit3A_17 : i32
    %sign3A = arith.constant 0 : i32
    %sign3A_18 = arith.cmpi sgt, %arg1, %sign3A : i32
    %sign3A_19 = arith.extui %sign3A_18 : i1 to i32
    %sign3A_20 = arith.constant 0 : i32
    %sign3A_21 = arith.cmpi slt, %arg1, %sign3A_20 : i32
    %sign3A_22 = arith.extui %sign3A_21 : i1 to i32
    %sign3A_23 = arith.subi %sign3A_19, %sign3A_22 : i32
    %sign3A_24 = arith.constant 0 : i32
    %sign3A_25 = arith.cmpi sgt, %jit3A_17, %sign3A_24 : i32
    %sign3A_26 = arith.extui %sign3A_25 : i1 to i32
    %sign3A_27 = arith.constant 0 : i32
    %sign3A_28 = arith.cmpi slt, %jit3A_17, %sign3A_27 : i32
    %sign3A_29 = arith.extui %sign3A_28 : i1 to i32
    %sign3A_30 = arith.subi %sign3A_26, %sign3A_29 : i32
    %ne3A_31 = arith.cmpi ne, %sign3A_23, %sign3A_30 : i32
    %rem3A_32 = arith.remsi %arg1, %jit3A_17 : i32
    %ne3A_33 = arith.constant 0 : i32
    %ne3A_34 = arith.cmpi ne, %rem3A_32, %ne3A_33 : i32
    %and3A_35 = arith.andi %ne3A_31, %ne3A_34 : i1
    %sub3A = arith.constant 1 : i32
    %sub3A_36 = arith.subi %div3A, %sub3A : i32
    %select_n3A_37 = arith.select %and3A_35, %sub3A_36, %div3A : i32
    %mul3A_38 = arith.constant 128 : i32
    %mul3A_39 = arith.muli %select_n3A_37, %mul3A_38 : i32
    %dma_start3A_40 = arith.constant 0 : i32
    %dma_start3A_41 = tpu.memref_slice %arg2[%dma_start3A_40, %mul3A_39] : memref<20x1024xf32, #tpu.memory_space<hbm>> -> memref<20x128xf32, #tpu.memory_space<hbm>>
    %dma_start3A_42 = arith.constant 0 : i32
    %dma_start3A_43 = tpu.memref_slice %arg2[%dma_start3A_42, %mul3A_39] : memref<20x1024xf32, #tpu.memory_space<hbm>> -> memref<20x128xf32, #tpu.memory_space<hbm>>
    tpu.enqueue_dma source(%dma_start3A_43 : memref<20x128xf32, #tpu.memory_space<hbm>>) target(%arg5 : memref<20x128xf32, #tpu.memory_space<vmem>>) target_semaphore(%arg11 : memref<!tpu.dma_semaphore, #tpu.memory_space<semaphore_mem>>)
    %dma_wait3A = arith.constant 0 : i32
    %dma_wait3A_44 = tpu.memref_slice %arg2[%dma_wait3A, %mul3A_39] : memref<20x1024xf32, #tpu.memory_space<hbm>> -> memref<20x128xf32, #tpu.memory_space<hbm>>
    %dma_wait3A_45 = arith.constant 0 : i32
    %dma_wait3A_46 = tpu.memref_slice %arg2[%dma_wait3A_45, %mul3A_39] : memref<20x1024xf32, #tpu.memory_space<hbm>> -> memref<20x128xf32, #tpu.memory_space<hbm>>
    tpu.wait_dma2 semaphore(%arg11 : memref<!tpu.dma_semaphore, #tpu.memory_space<semaphore_mem>>) src(%dma_wait3A_46 : memref<20x128xf32, #tpu.memory_space<hbm>>) dst(%arg5 : memref<20x128xf32, #tpu.memory_space<vmem>>)
    %parallel_loop3A = arith.constant 0 : i32
    %parallel_loop3A_47 = arith.constant 4 : i32
    %parallel_loop3A_48 = arith.constant 1 : i32
    scf.for %parallel_loop3A_149 = %parallel_loop3A to %parallel_loop3A_47 step %parallel_loop3A_48  : i32 {
      %parallel_loop3A_150 = arith.constant 16 : i32
      %parallel_loop3A_151 = arith.muli %parallel_loop3A_149, %parallel_loop3A_150 : i32
      %parallel_loop3A_152 = arith.addi %mul3A_16, %parallel_loop3A_151 : i32
      %parallel_loop3A_153 = arith.constant 0 : i32
      %parallel_loop3A_154 = arith.index_cast %parallel_loop3A_153 : i32 to index
      %parallel_loop3A_155 = arith.index_cast %parallel_loop3A_152 : i32 to index
      %parallel_loop3A_156 = tpu.vector_load %arg5[%parallel_loop3A_154, %parallel_loop3A_155] {strides = array<i32>} : memref<20x128xf32, #tpu.memory_space<vmem>>, vector<16xf32>,
      %parallel_loop3A_157 = arith.constant 0 : i32
      %parallel_loop3A_158 = vector.broadcast %parallel_loop3A_157 : i32 to vector<16xi32>
      %parallel_loop3A_159 = arith.constant 1 : i32
      %parallel_loop3A_160 = arith.index_cast %parallel_loop3A_159 : i32 to index
      %parallel_loop3A_161 = arith.index_cast %parallel_loop3A_152 : i32 to index
      %parallel_loop3A_162 = tpu.vector_load %arg5[%parallel_loop3A_160, %parallel_loop3A_161] {strides = array<i32>} : memref<20x128xf32, #tpu.memory_space<vmem>>, vector<16xf32>,
      %parallel_loop3A_163 = arith.cmpf ogt, %parallel_loop3A_162, %parallel_loop3A_156 : vector<16xf32>
      %parallel_loop3A_164 = arith.select %parallel_loop3A_163, %parallel_loop3A_162, %parallel_loop3A_156 : vector<16xi1>, vector<16xf32>
      %parallel_loop3A_165 = arith.constant 1 : i32
      %parallel_loop3A_166 = vector.broadcast %parallel_loop3A_165 : i32 to vector<16xi32>
      %parallel_loop3A_167 = arith.select %parallel_loop3A_163, %parallel_loop3A_166, %parallel_loop3A_158 : vector<16xi1>, vector<16xi32>
      %parallel_loop3A_168 = arith.constant 2 : i32
      %parallel_loop3A_169 = arith.index_cast %parallel_loop3A_168 : i32 to index
      %parallel_loop3A_170 = arith.index_cast %parallel_loop3A_152 : i32 to index
      %parallel_loop3A_171 = tpu.vector_load %arg5[%parallel_loop3A_169, %parallel_loop3A_170] {strides = array<i32>} : memref<20x128xf32, #tpu.memory_space<vmem>>, vector<16xf32>,
      %parallel_loop3A_172 = arith.cmpf ogt, %parallel_loop3A_171, %parallel_loop3A_164 : vector<16xf32>
      %parallel_loop3A_173 = arith.select %parallel_loop3A_172, %parallel_loop3A_171, %parallel_loop3A_164 : vector<16xi1>, vector<16xf32>
      %parallel_loop3A_174 = arith.constant 2 : i32
      %parallel_loop3A_175 = vector.broadcast %parallel_loop3A_174 : i32 to vector<16xi32>
      %parallel_loop3A_176 = arith.select %parallel_loop3A_172, %parallel_loop3A_175, %parallel_loop3A_167 : vector<16xi1>, vector<16xi32>
      %parallel_loop3A_177 = arith.constant 3 : i32
      %parallel_loop3A_178 = arith.index_cast %parallel_loop3A_177 : i32 to index
      %parallel_loop3A_179 = arith.index_cast %parallel_loop3A_152 : i32 to index
      %parallel_loop3A_180 = tpu.vector_load %arg5[%parallel_loop3A_178, %parallel_loop3A_179] {strides = array<i32>} : memref<20x128xf32, #tpu.memory_space<vmem>>, vector<16xf32>,
      %parallel_loop3A_181 = arith.cmpf ogt, %parallel_loop3A_180, %parallel_loop3A_173 : vector<16xf32>
      %parallel_loop3A_182 = arith.select %parallel_loop3A_181, %parallel_loop3A_180, %parallel_loop3A_173 : vector<16xi1>, vector<16xf32>
      %parallel_loop3A_183 = arith.constant 3 : i32
      %parallel_loop3A_184 = vector.broadcast %parallel_loop3A_183 : i32 to vector<16xi32>
      %parallel_loop3A_185 = arith.select %parallel_loop3A_181, %parallel_loop3A_184, %parallel_loop3A_176 : vector<16xi1>, vector<16xi32>
      %parallel_loop3A_186 = arith.constant 4 : i32
      %parallel_loop3A_187 = arith.index_cast %parallel_loop3A_186 : i32 to index
      %parallel_loop3A_188 = arith.index_cast %parallel_loop3A_152 : i32 to index
      %parallel_loop3A_189 = tpu.vector_load %arg5[%parallel_loop3A_187, %parallel_loop3A_188] {strides = array<i32>} : memref<20x128xf32, #tpu.memory_space<vmem>>, vector<16xf32>,
      %parallel_loop3A_190 = arith.cmpf ogt, %parallel_loop3A_189, %parallel_loop3A_182 : vector<16xf32>
      %parallel_loop3A_191 = arith.select %parallel_loop3A_190, %parallel_loop3A_189, %parallel_loop3A_182 : vector<16xi1>, vector<16xf32>
      %parallel_loop3A_192 = arith.constant 4 : i32
      %parallel_loop3A_193 = vector.broadcast %parallel_loop3A_192 : i32 to vector<16xi32>
      %parallel_loop3A_194 = arith.select %parallel_loop3A_190, %parallel_loop3A_193, %parallel_loop3A_185 : vector<16xi1>, vector<16xi32>
      %parallel_loop3A_195 = arith.constant 5 : i32
      %parallel_loop3A_196 = arith.index_cast %parallel_loop3A_195 : i32 to index
      %parallel_loop3A_197 = arith.index_cast %parallel_loop3A_152 : i32 to index
      %parallel_loop3A_198 = tpu.vector_load %arg5[%parallel_loop3A_196, %parallel_loop3A_197] {strides = array<i32>} : memref<20x128xf32, #tpu.memory_space<vmem>>, vector<16xf32>,
      %parallel_loop3A_199 = arith.cmpf ogt, %parallel_loop3A_198, %parallel_loop3A_191 : vector<16xf32>
      %parallel_loop3A_200 = arith.select %parallel_loop3A_199, %parallel_loop3A_198, %parallel_loop3A_191 : vector<16xi1>, vector<16xf32>
      %parallel_loop3A_201 = arith.constant 5 : i32
      %parallel_loop3A_202 = vector.broadcast %parallel_loop3A_201 : i32 to vector<16xi32>
      %parallel_loop3A_203 = arith.select %parallel_loop3A_199, %parallel_loop3A_202, %parallel_loop3A_194 : vector<16xi1>, vector<16xi32>
      %parallel_loop3A_204 = arith.constant 6 : i32
      %parallel_loop3A_205 = arith.index_cast %parallel_loop3A_204 : i32 to index
      %parallel_loop3A_206 = arith.index_cast %parallel_loop3A_152 : i32 to index
      %parallel_loop3A_207 = tpu.vector_load %arg5[%parallel_loop3A_205, %parallel_loop3A_206] {strides = array<i32>} : memref<20x128xf32, #tpu.memory_space<vmem>>, vector<16xf32>,
      %parallel_loop3A_208 = arith.cmpf ogt, %parallel_loop3A_207, %parallel_loop3A_200 : vector<16xf32>
      %parallel_loop3A_209 = arith.select %parallel_loop3A_208, %parallel_loop3A_207, %parallel_loop3A_200 : vector<16xi1>, vector<16xf32>
      %parallel_loop3A_210 = arith.constant 6 : i32
      %parallel_loop3A_211 = vector.broadcast %parallel_loop3A_210 : i32 to vector<16xi32>
      %parallel_loop3A_212 = arith.select %parallel_loop3A_208, %parallel_loop3A_211, %parallel_loop3A_203 : vector<16xi1>, vector<16xi32>
      %parallel_loop3A_213 = arith.constant 7 : i32
      %parallel_loop3A_214 = arith.index_cast %parallel_loop3A_213 : i32 to index
      %parallel_loop3A_215 = arith.index_cast %parallel_loop3A_152 : i32 to index
      %parallel_loop3A_216 = tpu.vector_load %arg5[%parallel_loop3A_214, %parallel_loop3A_215] {strides = array<i32>} : memref<20x128xf32, #tpu.memory_space<vmem>>, vector<16xf32>,
      %parallel_loop3A_217 = arith.cmpf ogt, %parallel_loop3A_216, %parallel_loop3A_209 : vector<16xf32>
      %parallel_loop3A_218 = arith.select %parallel_loop3A_217, %parallel_loop3A_216, %parallel_loop3A_209 : vector<16xi1>, vector<16xf32>
      %parallel_loop3A_219 = arith.constant 7 : i32
      %parallel_loop3A_220 = vector.broadcast %parallel_loop3A_219 : i32 to vector<16xi32>
      %parallel_loop3A_221 = arith.select %parallel_loop3A_217, %parallel_loop3A_220, %parallel_loop3A_212 : vector<16xi1>, vector<16xi32>
      %parallel_loop3A_222 = arith.constant 8 : i32
      %parallel_loop3A_223 = arith.index_cast %parallel_loop3A_222 : i32 to index
      %parallel_loop3A_224 = arith.index_cast %parallel_loop3A_152 : i32 to index
      %parallel_loop3A_225 = tpu.vector_load %arg5[%parallel_loop3A_223, %parallel_loop3A_224] {strides = array<i32>} : memref<20x128xf32, #tpu.memory_space<vmem>>, vector<16xf32>,
      %parallel_loop3A_226 = arith.cmpf ogt, %parallel_loop3A_225, %parallel_loop3A_218 : vector<16xf32>
      %parallel_loop3A_227 = arith.select %parallel_loop3A_226, %parallel_loop3A_225, %parallel_loop3A_218 : vector<16xi1>, vector<16xf32>
      %parallel_loop3A_228 = arith.constant 8 : i32
      %parallel_loop3A_229 = vector.broadcast %parallel_loop3A_228 : i32 to vector<16xi32>
      %parallel_loop3A_230 = arith.select %parallel_loop3A_226, %parallel_loop3A_229, %parallel_loop3A_221 : vector<16xi1>, vector<16xi32>
      %parallel_loop3A_231 = arith.constant 9 : i32
      %parallel_loop3A_232 = arith.index_cast %parallel_loop3A_231 : i32 to index
      %parallel_loop3A_233 = arith.index_cast %parallel_loop3A_152 : i32 to index
      %parallel_loop3A_234 = tpu.vector_load %arg5[%parallel_loop3A_232, %parallel_loop3A_233] {strides = array<i32>} : memref<20x128xf32, #tpu.memory_space<vmem>>, vector<16xf32>,
      %parallel_loop3A_235 = arith.cmpf ogt, %parallel_loop3A_234, %parallel_loop3A_227 : vector<16xf32>
      %parallel_loop3A_236 = arith.select %parallel_loop3A_235, %parallel_loop3A_234, %parallel_loop3A_227 : vector<16xi1>, vector<16xf32>
      %parallel_loop3A_237 = arith.constant 9 : i32
      %parallel_loop3A_238 = vector.broadcast %parallel_loop3A_237 : i32 to vector<16xi32>
      %parallel_loop3A_239 = arith.select %parallel_loop3A_235, %parallel_loop3A_238, %parallel_loop3A_230 : vector<16xi1>, vector<16xi32>
      %parallel_loop3A_240 = arith.constant 10 : i32
      %parallel_loop3A_241 = arith.index_cast %parallel_loop3A_240 : i32 to index
      %parallel_loop3A_242 = arith.index_cast %parallel_loop3A_152 : i32 to index
      %parallel_loop3A_243 = tpu.vector_load %arg5[%parallel_loop3A_241, %parallel_loop3A_242] {strides = array<i32>} : memref<20x128xf32, #tpu.memory_space<vmem>>, vector<16xf32>,
      %parallel_loop3A_244 = arith.cmpf ogt, %parallel_loop3A_243, %parallel_loop3A_236 : vector<16xf32>
      %parallel_loop3A_245 = arith.select %parallel_loop3A_244, %parallel_loop3A_243, %parallel_loop3A_236 : vector<16xi1>, vector<16xf32>
      %parallel_loop3A_246 = arith.constant 10 : i32
      %parallel_loop3A_247 = vector.broadcast %parallel_loop3A_246 : i32 to vector<16xi32>
      %parallel_loop3A_248 = arith.select %parallel_loop3A_244, %parallel_loop3A_247, %parallel_loop3A_239 : vector<16xi1>, vector<16xi32>
      %parallel_loop3A_249 = arith.constant 11 : i32
      %parallel_loop3A_250 = arith.index_cast %parallel_loop3A_249 : i32 to index
      %parallel_loop3A_251 = arith.index_cast %parallel_loop3A_152 : i32 to index
      %parallel_loop3A_252 = tpu.vector_load %arg5[%parallel_loop3A_250, %parallel_loop3A_251] {strides = array<i32>} : memref<20x128xf32, #tpu.memory_space<vmem>>, vector<16xf32>,
      %parallel_loop3A_253 = arith.cmpf ogt, %parallel_loop3A_252, %parallel_loop3A_245 : vector<16xf32>
      %parallel_loop3A_254 = arith.select %parallel_loop3A_253, %parallel_loop3A_252, %parallel_loop3A_245 : vector<16xi1>, vector<16xf32>
      %parallel_loop3A_255 = arith.constant 11 : i32
      %parallel_loop3A_256 = vector.broadcast %parallel_loop3A_255 : i32 to vector<16xi32>
      %parallel_loop3A_257 = arith.select %parallel_loop3A_253, %parallel_loop3A_256, %parallel_loop3A_248 : vector<16xi1>, vector<16xi32>
      %parallel_loop3A_258 = arith.constant 12 : i32
      %parallel_loop3A_259 = arith.index_cast %parallel_loop3A_258 : i32 to index
      %parallel_loop3A_260 = arith.index_cast %parallel_loop3A_152 : i32 to index
      %parallel_loop3A_261 = tpu.vector_load %arg5[%parallel_loop3A_259, %parallel_loop3A_260] {strides = array<i32>} : memref<20x128xf32, #tpu.memory_space<vmem>>, vector<16xf32>,
      %parallel_loop3A_262 = arith.cmpf ogt, %parallel_loop3A_261, %parallel_loop3A_254 : vector<16xf32>
      %parallel_loop3A_263 = arith.select %parallel_loop3A_262, %parallel_loop3A_261, %parallel_loop3A_254 : vector<16xi1>, vector<16xf32>
      %parallel_loop3A_264 = arith.constant 12 : i32
      %parallel_loop3A_265 = vector.broadcast %parallel_loop3A_264 : i32 to vector<16xi32>
      %parallel_loop3A_266 = arith.select %parallel_loop3A_262, %parallel_loop3A_265, %parallel_loop3A_257 : vector<16xi1>, vector<16xi32>
      %parallel_loop3A_267 = arith.constant 13 : i32
      %parallel_loop3A_268 = arith.index_cast %parallel_loop3A_267 : i32 to index
      %parallel_loop3A_269 = arith.index_cast %parallel_loop3A_152 : i32 to index
      %parallel_loop3A_270 = tpu.vector_load %arg5[%parallel_loop3A_268, %parallel_loop3A_269] {strides = array<i32>} : memref<20x128xf32, #tpu.memory_space<vmem>>, vector<16xf32>,
      %parallel_loop3A_271 = arith.cmpf ogt, %parallel_loop3A_270, %parallel_loop3A_263 : vector<16xf32>
      %parallel_loop3A_272 = arith.select %parallel_loop3A_271, %parallel_loop3A_270, %parallel_loop3A_263 : vector<16xi1>, vector<16xf32>
      %parallel_loop3A_273 = arith.constant 13 : i32
      %parallel_loop3A_274 = vector.broadcast %parallel_loop3A_273 : i32 to vector<16xi32>
      %parallel_loop3A_275 = arith.select %parallel_loop3A_271, %parallel_loop3A_274, %parallel_loop3A_266 : vector<16xi1>, vector<16xi32>
      %parallel_loop3A_276 = arith.constant 14 : i32
      %parallel_loop3A_277 = arith.index_cast %parallel_loop3A_276 : i32 to index
      %parallel_loop3A_278 = arith.index_cast %parallel_loop3A_152 : i32 to index
      %parallel_loop3A_279 = tpu.vector_load %arg5[%parallel_loop3A_277, %parallel_loop3A_278] {strides = array<i32>} : memref<20x128xf32, #tpu.memory_space<vmem>>, vector<16xf32>,
      %parallel_loop3A_280 = arith.cmpf ogt, %parallel_loop3A_279, %parallel_loop3A_272 : vector<16xf32>
      %parallel_loop3A_281 = arith.select %parallel_loop3A_280, %parallel_loop3A_279, %parallel_loop3A_272 : vector<16xi1>, vector<16xf32>
      %parallel_loop3A_282 = arith.constant 14 : i32
      %parallel_loop3A_283 = vector.broadcast %parallel_loop3A_282 : i32 to vector<16xi32>
      %parallel_loop3A_284 = arith.select %parallel_loop3A_280, %parallel_loop3A_283, %parallel_loop3A_275 : vector<16xi1>, vector<16xi32>
      %parallel_loop3A_285 = arith.constant 15 : i32
      %parallel_loop3A_286 = arith.index_cast %parallel_loop3A_285 : i32 to index
      %parallel_loop3A_287 = arith.index_cast %parallel_loop3A_152 : i32 to index
      %parallel_loop3A_288 = tpu.vector_load %arg5[%parallel_loop3A_286, %parallel_loop3A_287] {strides = array<i32>} : memref<20x128xf32, #tpu.memory_space<vmem>>, vector<16xf32>,
      %parallel_loop3A_289 = arith.cmpf ogt, %parallel_loop3A_288, %parallel_loop3A_281 : vector<16xf32>
      %parallel_loop3A_290 = arith.select %parallel_loop3A_289, %parallel_loop3A_288, %parallel_loop3A_281 : vector<16xi1>, vector<16xf32>
      %parallel_loop3A_291 = arith.constant 15 : i32
      %parallel_loop3A_292 = vector.broadcast %parallel_loop3A_291 : i32 to vector<16xi32>
      %parallel_loop3A_293 = arith.select %parallel_loop3A_289, %parallel_loop3A_292, %parallel_loop3A_284 : vector<16xi1>, vector<16xi32>
      %parallel_loop3A_294 = arith.constant 16 : i32
      %parallel_loop3A_295 = arith.index_cast %parallel_loop3A_294 : i32 to index
      %parallel_loop3A_296 = arith.index_cast %parallel_loop3A_152 : i32 to index
      %parallel_loop3A_297 = tpu.vector_load %arg5[%parallel_loop3A_295, %parallel_loop3A_296] {strides = array<i32>} : memref<20x128xf32, #tpu.memory_space<vmem>>, vector<16xf32>,
      %parallel_loop3A_298 = arith.cmpf ogt, %parallel_loop3A_297, %parallel_loop3A_290 : vector<16xf32>
      %parallel_loop3A_299 = arith.select %parallel_loop3A_298, %parallel_loop3A_297, %parallel_loop3A_290 : vector<16xi1>, vector<16xf32>
      %parallel_loop3A_300 = arith.constant 16 : i32
      %parallel_loop3A_301 = vector.broadcast %parallel_loop3A_300 : i32 to vector<16xi32>
      %parallel_loop3A_302 = arith.select %parallel_loop3A_298, %parallel_loop3A_301, %parallel_loop3A_293 : vector<16xi1>, vector<16xi32>
      %parallel_loop3A_303 = arith.constant 17 : i32
      %parallel_loop3A_304 = arith.index_cast %parallel_loop3A_303 : i32 to index
      %parallel_loop3A_305 = arith.index_cast %parallel_loop3A_152 : i32 to index
      %parallel_loop3A_306 = tpu.vector_load %arg5[%parallel_loop3A_304, %parallel_loop3A_305] {strides = array<i32>} : memref<20x128xf32, #tpu.memory_space<vmem>>, vector<16xf32>,
      %parallel_loop3A_307 = arith.cmpf ogt, %parallel_loop3A_306, %parallel_loop3A_299 : vector<16xf32>
      %parallel_loop3A_308 = arith.select %parallel_loop3A_307, %parallel_loop3A_306, %parallel_loop3A_299 : vector<16xi1>, vector<16xf32>
      %parallel_loop3A_309 = arith.constant 17 : i32
      %parallel_loop3A_310 = vector.broadcast %parallel_loop3A_309 : i32 to vector<16xi32>
      %parallel_loop3A_311 = arith.select %parallel_loop3A_307, %parallel_loop3A_310, %parallel_loop3A_302 : vector<16xi1>, vector<16xi32>
      %parallel_loop3A_312 = arith.constant 18 : i32
      %parallel_loop3A_313 = arith.index_cast %parallel_loop3A_312 : i32 to index
      %parallel_loop3A_314 = arith.index_cast %parallel_loop3A_152 : i32 to index
      %parallel_loop3A_315 = tpu.vector_load %arg5[%parallel_loop3A_313, %parallel_loop3A_314] {strides = array<i32>} : memref<20x128xf32, #tpu.memory_space<vmem>>, vector<16xf32>,
      %parallel_loop3A_316 = arith.cmpf ogt, %parallel_loop3A_315, %parallel_loop3A_308 : vector<16xf32>
      %parallel_loop3A_317 = arith.select %parallel_loop3A_316, %parallel_loop3A_315, %parallel_loop3A_308 : vector<16xi1>, vector<16xf32>
      %parallel_loop3A_318 = arith.constant 18 : i32
      %parallel_loop3A_319 = vector.broadcast %parallel_loop3A_318 : i32 to vector<16xi32>
      %parallel_loop3A_320 = arith.select %parallel_loop3A_316, %parallel_loop3A_319, %parallel_loop3A_311 : vector<16xi1>, vector<16xi32>
      %parallel_loop3A_321 = arith.constant 19 : i32
      %parallel_loop3A_322 = arith.index_cast %parallel_loop3A_321 : i32 to index
      %parallel_loop3A_323 = arith.index_cast %parallel_loop3A_152 : i32 to index
      %parallel_loop3A_324 = tpu.vector_load %arg5[%parallel_loop3A_322, %parallel_loop3A_323] {strides = array<i32>} : memref<20x128xf32, #tpu.memory_space<vmem>>, vector<16xf32>,
      %parallel_loop3A_325 = arith.cmpf ogt, %parallel_loop3A_324, %parallel_loop3A_317 : vector<16xf32>
      %parallel_loop3A_326 = arith.select %parallel_loop3A_325, %parallel_loop3A_324, %parallel_loop3A_317 : vector<16xi1>, vector<16xf32>
      %parallel_loop3A_327 = arith.constant 19 : i32
      %parallel_loop3A_328 = vector.broadcast %parallel_loop3A_327 : i32 to vector<16xi32>
      %parallel_loop3A_329 = arith.select %parallel_loop3A_325, %parallel_loop3A_328, %parallel_loop3A_320 : vector<16xi1>, vector<16xi32>
      %parallel_loop3A_330 = arith.constant 64 : i32
      %parallel_loop3A_331 = arith.muli %arg1, %parallel_loop3A_330 : i32
      %parallel_loop3A_332 = arith.constant 16 : i32
      %parallel_loop3A_333 = arith.muli %parallel_loop3A_149, %parallel_loop3A_332 : i32
      %parallel_loop3A_334 = arith.addi %parallel_loop3A_331, %parallel_loop3A_333 : i32
      %parallel_loop3A_335 = arith.index_cast %parallel_loop3A_334 : i32 to index
      %parallel_loop3A_336 = tpu.vector_load %arg6[%parallel_loop3A_335] {strides = array<i32>} : memref<1024xi32, #tpu.memory_space<vmem>>, vector<16xi32>,
      tpu.vector_store %arg6[%parallel_loop3A_335], %parallel_loop3A_329 {strides = array<i32>} : memref<1024xi32, #tpu.memory_space<vmem>>, vector<16xi32>,
    } {sc.loop_unroll_factor = 1 : i64, sc.parallel_access}
    %mul3A_49 = arith.constant 64 : i32
    %mul3A_50 = arith.muli %arg1, %mul3A_49 : i32
    %mul3A_51 = arith.constant 64 : i32
    %mul3A_52 = arith.muli %arg1, %mul3A_51 : i32
    "tpu.region"() ({
      %run_scoped3A = tpu.sem_alloc : memref<!tpu.dma_semaphore, #tpu.memory_space<semaphore_mem>>
      %dma_start3A_149 = tpu.memref_slice %arg6[%mul3A_50] : memref<1024xi32, #tpu.memory_space<vmem>> -> memref<64xi32, #tpu.memory_space<vmem>>
      %dma_start3A_150 = tpu.memref_slice %arg9[%mul3A_52] : memref<1024xi32, #tpu.memory_space<vmem_shared>> -> memref<64xi32, #tpu.memory_space<vmem_shared>>
      %dma_start3A_151 = tpu.memref_slice %arg9[%mul3A_52] : memref<1024xi32, #tpu.memory_space<vmem_shared>> -> memref<64xi32, #tpu.memory_space<vmem_shared>>
      %dma_start3A_152 = tpu.memref_slice %arg6[%mul3A_50] : memref<1024xi32, #tpu.memory_space<vmem>> -> memref<64xi32, #tpu.memory_space<vmem>>
      tpu.enqueue_dma source(%dma_start3A_152 : memref<64xi32, #tpu.memory_space<vmem>>) target(%dma_start3A_151 : memref<64xi32, #tpu.memory_space<vmem_shared>>) target_semaphore(%run_scoped3A : memref<!tpu.dma_semaphore, #tpu.memory_space<semaphore_mem>>)
      %dma_wait3A_153 = tpu.memref_slice %arg6[%mul3A_50] : memref<1024xi32, #tpu.memory_space<vmem>> -> memref<64xi32, #tpu.memory_space<vmem>>
      %dma_wait3A_154 = tpu.memref_slice %arg9[%mul3A_52] : memref<1024xi32, #tpu.memory_space<vmem_shared>> -> memref<64xi32, #tpu.memory_space<vmem_shared>>
      %dma_wait3A_155 = tpu.memref_slice %arg9[%mul3A_52] : memref<1024xi32, #tpu.memory_space<vmem_shared>> -> memref<64xi32, #tpu.memory_space<vmem_shared>>
      %dma_wait3A_156 = tpu.memref_slice %arg6[%mul3A_50] : memref<1024xi32, #tpu.memory_space<vmem>> -> memref<64xi32, #tpu.memory_space<vmem>>
      tpu.wait_dma2 semaphore(%run_scoped3A : memref<!tpu.dma_semaphore, #tpu.memory_space<semaphore_mem>>) src(%dma_wait3A_156 : memref<64xi32, #tpu.memory_space<vmem>>) dst(%dma_wait3A_155 : memref<64xi32, #tpu.memory_space<vmem_shared>>)
      tpu.yield
    }) : () -> ()
    %barrier3A = arith.constant 0 : index
    tpu.barrier barrier_id(%barrier3A)
    "tpu.region"() ({
      %run_scoped3A = tpu.sem_alloc : memref<!tpu.dma_semaphore, #tpu.memory_space<semaphore_mem>>
      tpu.enqueue_dma source(%arg9 : memref<1024xi32, #tpu.memory_space<vmem_shared>>) target(%arg6 : memref<1024xi32, #tpu.memory_space<vmem>>) target_semaphore(%run_scoped3A : memref<!tpu.dma_semaphore, #tpu.memory_space<semaphore_mem>>)
      tpu.wait_dma2 semaphore(%run_scoped3A : memref<!tpu.dma_semaphore, #tpu.memory_space<semaphore_mem>>) src(%arg9 : memref<1024xi32, #tpu.memory_space<vmem_shared>>) dst(%arg6 : memref<1024xi32, #tpu.memory_space<vmem>>)
      tpu.yield
    }) : () -> ()
    %dma_wait3A_53 = arith.constant 0 : i32
    %dma_wait3A_54 = tpu.memref_slice %arg3[%dma_wait3A_53, %mul3A_2] : memref<200x4096xi32, #tpu.memory_space<hbm>> -> memref<200x128xi32, #tpu.memory_space<hbm>>
    %dma_wait3A_55 = arith.constant 0 : i32
    %dma_wait3A_56 = tpu.memref_slice %arg3[%dma_wait3A_55, %mul3A_2] : memref<200x4096xi32, #tpu.memory_space<hbm>> -> memref<200x128xi32, #tpu.memory_space<hbm>>
    tpu.wait_dma2 semaphore(%arg10 : memref<!tpu.dma_semaphore, #tpu.memory_space<semaphore_mem>>) src(%dma_wait3A_56 : memref<200x128xi32, #tpu.memory_space<hbm>>) dst(%arg7 : memref<200x128xi32, #tpu.memory_space<vmem>>)
    %parallel_loop3A_57 = arith.constant 0 : i32
    %parallel_loop3A_58 = arith.constant 56 : i32
    %parallel_loop3A_59 = arith.constant 1 : i32
    scf.for %parallel_loop3A_149 = %parallel_loop3A_57 to %parallel_loop3A_58 step %parallel_loop3A_59  : i32 {
      %parallel_loop3A_150 = arith.index_cast %parallel_loop3A_149 : i32 to index
      %parallel_loop3A_151 = arith.constant 0 : index
      %parallel_loop3A_152 = tpu.vector_load %arg7[%parallel_loop3A_150, %parallel_loop3A_151] {strides = array<i32>} : memref<200x128xi32, #tpu.memory_space<vmem>>, vector<16xi32>,
      %parallel_loop3A_153 = tpu.vector_load_idx %arg6[%parallel_loop3A_152] : memref<1024xi32, #tpu.memory_space<vmem>>[vector<16xi32>], vector<16xi32>,
      %parallel_loop3A_154 = arith.index_cast %parallel_loop3A_149 : i32 to index
      %parallel_loop3A_155 = arith.constant 0 : index
      %parallel_loop3A_156 = tpu.vector_load %arg8[%parallel_loop3A_154, %parallel_loop3A_155] {strides = array<i32>} : memref<200x128xi32, #tpu.memory_space<vmem>>, vector<16xi32>,
      tpu.vector_store %arg8[%parallel_loop3A_154, %parallel_loop3A_155], %parallel_loop3A_153 {strides = array<i32>} : memref<200x128xi32, #tpu.memory_space<vmem>>, vector<16xi32>,
      %parallel_loop3A_157 = arith.index_cast %parallel_loop3A_149 : i32 to index
      %parallel_loop3A_158 = arith.constant 16 : index
      %parallel_loop3A_159 = tpu.vector_load %arg7[%parallel_loop3A_157, %parallel_loop3A_158] {strides = array<i32>} : memref<200x128xi32, #tpu.memory_space<vmem>>, vector<16xi32>,
      %parallel_loop3A_160 = tpu.vector_load_idx %arg6[%parallel_loop3A_159] : memref<1024xi32, #tpu.memory_space<vmem>>[vector<16xi32>], vector<16xi32>,
      %parallel_loop3A_161 = arith.index_cast %parallel_loop3A_149 : i32 to index
      %parallel_loop3A_162 = arith.constant 16 : index
      %parallel_loop3A_163 = tpu.vector_load %arg8[%parallel_loop3A_161, %parallel_loop3A_162] {strides = array<i32>} : memref<200x128xi32, #tpu.memory_space<vmem>>, vector<16xi32>,
      tpu.vector_store %arg8[%parallel_loop3A_161, %parallel_loop3A_162], %parallel_loop3A_160 {strides = array<i32>} : memref<200x128xi32, #tpu.memory_space<vmem>>, vector<16xi32>,
      %parallel_loop3A_164 = arith.index_cast %parallel_loop3A_149 : i32 to index
      %parallel_loop3A_165 = arith.constant 32 : index
      %parallel_loop3A_166 = tpu.vector_load %arg7[%parallel_loop3A_164, %parallel_loop3A_165] {strides = array<i32>} : memref<200x128xi32, #tpu.memory_space<vmem>>, vector<16xi32>,
      %parallel_loop3A_167 = tpu.vector_load_idx %arg6[%parallel_loop3A_166] : memref<1024xi32, #tpu.memory_space<vmem>>[vector<16xi32>], vector<16xi32>,
      %parallel_loop3A_168 = arith.index_cast %parallel_loop3A_149 : i32 to index
      %parallel_loop3A_169 = arith.constant 32 : index
      %parallel_loop3A_170 = tpu.vector_load %arg8[%parallel_loop3A_168, %parallel_loop3A_169] {strides = array<i32>} : memref<200x128xi32, #tpu.memory_space<vmem>>, vector<16xi32>,
      tpu.vector_store %arg8[%parallel_loop3A_168, %parallel_loop3A_169], %parallel_loop3A_167 {strides = array<i32>} : memref<200x128xi32, #tpu.memory_space<vmem>>, vector<16xi32>,
      %parallel_loop3A_171 = arith.index_cast %parallel_loop3A_149 : i32 to index
      %parallel_loop3A_172 = arith.constant 48 : index
      %parallel_loop3A_173 = tpu.vector_load %arg7[%parallel_loop3A_171, %parallel_loop3A_172] {strides = array<i32>} : memref<200x128xi32, #tpu.memory_space<vmem>>, vector<16xi32>,
      %parallel_loop3A_174 = tpu.vector_load_idx %arg6[%parallel_loop3A_173] : memref<1024xi32, #tpu.memory_space<vmem>>[vector<16xi32>], vector<16xi32>,
      %parallel_loop3A_175 = arith.index_cast %parallel_loop3A_149 : i32 to index
      %parallel_loop3A_176 = arith.constant 48 : index
      %parallel_loop3A_177 = tpu.vector_load %arg8[%parallel_loop3A_175, %parallel_loop3A_176] {strides = array<i32>} : memref<200x128xi32, #tpu.memory_space<vmem>>, vector<16xi32>,
      tpu.vector_store %arg8[%parallel_loop3A_175, %parallel_loop3A_176], %parallel_loop3A_174 {strides = array<i32>} : memref<200x128xi32, #tpu.memory_space<vmem>>, vector<16xi32>,
      %parallel_loop3A_178 = arith.index_cast %parallel_loop3A_149 : i32 to index
      %parallel_loop3A_179 = arith.constant 64 : index
      %parallel_loop3A_180 = tpu.vector_load %arg7[%parallel_loop3A_178, %parallel_loop3A_179] {strides = array<i32>} : memref<200x128xi32, #tpu.memory_space<vmem>>, vector<16xi32>,
      %parallel_loop3A_181 = tpu.vector_load_idx %arg6[%parallel_loop3A_180] : memref<1024xi32, #tpu.memory_space<vmem>>[vector<16xi32>], vector<16xi32>,
      %parallel_loop3A_182 = arith.index_cast %parallel_loop3A_149 : i32 to index
      %parallel_loop3A_183 = arith.constant 64 : index
      %parallel_loop3A_184 = tpu.vector_load %arg8[%parallel_loop3A_182, %parallel_loop3A_183] {strides = array<i32>} : memref<200x128xi32, #tpu.memory_space<vmem>>, vector<16xi32>,
      tpu.vector_store %arg8[%parallel_loop3A_182, %parallel_loop3A_183], %parallel_loop3A_181 {strides = array<i32>} : memref<200x128xi32, #tpu.memory_space<vmem>>, vector<16xi32>,
      %parallel_loop3A_185 = arith.index_cast %parallel_loop3A_149 : i32 to index
      %parallel_loop3A_186 = arith.constant 80 : index
      %parallel_loop3A_187 = tpu.vector_load %arg7[%parallel_loop3A_185, %parallel_loop3A_186] {strides = array<i32>} : memref<200x128xi32, #tpu.memory_space<vmem>>, vector<16xi32>,
      %parallel_loop3A_188 = tpu.vector_load_idx %arg6[%parallel_loop3A_187] : memref<1024xi32, #tpu.memory_space<vmem>>[vector<16xi32>], vector<16xi32>,
      %parallel_loop3A_189 = arith.index_cast %parallel_loop3A_149 : i32 to index
      %parallel_loop3A_190 = arith.constant 80 : index
      %parallel_loop3A_191 = tpu.vector_load %arg8[%parallel_loop3A_189, %parallel_loop3A_190] {strides = array<i32>} : memref<200x128xi32, #tpu.memory_space<vmem>>, vector<16xi32>,
      tpu.vector_store %arg8[%parallel_loop3A_189, %parallel_loop3A_190], %parallel_loop3A_188 {strides = array<i32>} : memref<200x128xi32, #tpu.memory_space<vmem>>, vector<16xi32>,
      %parallel_loop3A_192 = arith.index_cast %parallel_loop3A_149 : i32 to index
      %parallel_loop3A_193 = arith.constant 96 : index
      %parallel_loop3A_194 = tpu.vector_load %arg7[%parallel_loop3A_192, %parallel_loop3A_193] {strides = array<i32>} : memref<200x128xi32, #tpu.memory_space<vmem>>, vector<16xi32>,
      %parallel_loop3A_195 = tpu.vector_load_idx %arg6[%parallel_loop3A_194] : memref<1024xi32, #tpu.memory_space<vmem>>[vector<16xi32>], vector<16xi32>,
      %parallel_loop3A_196 = arith.index_cast %parallel_loop3A_149 : i32 to index
      %parallel_loop3A_197 = arith.constant 96 : index
      %parallel_loop3A_198 = tpu.vector_load %arg8[%parallel_loop3A_196, %parallel_loop3A_197] {strides = array<i32>} : memref<200x128xi32, #tpu.memory_space<vmem>>, vector<16xi32>,
      tpu.vector_store %arg8[%parallel_loop3A_196, %parallel_loop3A_197], %parallel_loop3A_195 {strides = array<i32>} : memref<200x128xi32, #tpu.memory_space<vmem>>, vector<16xi32>,
      %parallel_loop3A_199 = arith.index_cast %parallel_loop3A_149 : i32 to index
      %parallel_loop3A_200 = arith.constant 112 : index
      %parallel_loop3A_201 = tpu.vector_load %arg7[%parallel_loop3A_199, %parallel_loop3A_200] {strides = array<i32>} : memref<200x128xi32, #tpu.memory_space<vmem>>, vector<16xi32>,
      %parallel_loop3A_202 = tpu.vector_load_idx %arg6[%parallel_loop3A_201] : memref<1024xi32, #tpu.memory_space<vmem>>[vector<16xi32>], vector<16xi32>,
      %parallel_loop3A_203 = arith.index_cast %parallel_loop3A_149 : i32 to index
      %parallel_loop3A_204 = arith.constant 112 : index
      %parallel_loop3A_205 = tpu.vector_load %arg8[%parallel_loop3A_203, %parallel_loop3A_204] {strides = array<i32>} : memref<200x128xi32, #tpu.memory_space<vmem>>, vector<16xi32>,
      tpu.vector_store %arg8[%parallel_loop3A_203, %parallel_loop3A_204], %parallel_loop3A_202 {strides = array<i32>} : memref<200x128xi32, #tpu.memory_space<vmem>>, vector<16xi32>,
    } {sc.loop_unroll_factor = 1 : i64, sc.parallel_access}
    %dma_start3A_60 = arith.constant 0 : i32
    %dma_start3A_61 = arith.constant 0 : i32
    %dma_start3A_62 = tpu.memref_slice %arg8[%dma_start3A_60, %dma_start3A_61] : memref<200x128xi32, #tpu.memory_space<vmem>> -> memref<56x128xi32, #tpu.memory_space<vmem>>
    %dma_start3A_63 = arith.constant 0 : i32
    %dma_start3A_64 = tpu.memref_slice %arg4[%dma_start3A_63, %mul3A_2] : memref<200x4096xi32, #tpu.memory_space<hbm>> -> memref<56x128xi32, #tpu.memory_space<hbm>>
    %dma_start3A_65 = arith.constant 0 : i32
    %dma_start3A_66 = tpu.memref_slice %arg4[%dma_start3A_65, %mul3A_2] : memref<200x4096xi32, #tpu.memory_space<hbm>> -> memref<56x128xi32, #tpu.memory_space<hbm>>
    %dma_start3A_67 = arith.constant 0 : i32
    %dma_start3A_68 = arith.constant 0 : i32
    %dma_start3A_69 = tpu.memref_slice %arg8[%dma_start3A_67, %dma_start3A_68] : memref<200x128xi32, #tpu.memory_space<vmem>> -> memref<56x128xi32, #tpu.memory_space<vmem>>
    tpu.enqueue_dma source(%dma_start3A_69 : memref<56x128xi32, #tpu.memory_space<vmem>>) target(%dma_start3A_66 : memref<56x128xi32, #tpu.memory_space<hbm>>) target_semaphore(%arg12 : memref<!tpu.dma_semaphore, #tpu.memory_space<semaphore_mem>>)
    %parallel_loop3A_70 = arith.constant 56 : i32
    %parallel_loop3A_71 = arith.constant 112 : i32
    %parallel_loop3A_72 = arith.constant 1 : i32
    scf.for %parallel_loop3A_149 = %parallel_loop3A_70 to %parallel_loop3A_71 step %parallel_loop3A_72  : i32 {
      %parallel_loop3A_150 = arith.index_cast %parallel_loop3A_149 : i32 to index
      %parallel_loop3A_151 = arith.constant 0 : index
      %parallel_loop3A_152 = tpu.vector_load %arg7[%parallel_loop3A_150, %parallel_loop3A_151] {strides = array<i32>} : memref<200x128xi32, #tpu.memory_space<vmem>>, vector<16xi32>,
      %parallel_loop3A_153 = tpu.vector_load_idx %arg6[%parallel_loop3A_152] : memref<1024xi32, #tpu.memory_space<vmem>>[vector<16xi32>], vector<16xi32>,
      %parallel_loop3A_154 = arith.index_cast %parallel_loop3A_149 : i32 to index
      %parallel_loop3A_155 = arith.constant 0 : index
      %parallel_loop3A_156 = tpu.vector_load %arg8[%parallel_loop3A_154, %parallel_loop3A_155] {strides = array<i32>} : memref<200x128xi32, #tpu.memory_space<vmem>>, vector<16xi32>,
      tpu.vector_store %arg8[%parallel_loop3A_154, %parallel_loop3A_155], %parallel_loop3A_153 {strides = array<i32>} : memref<200x128xi32, #tpu.memory_space<vmem>>, vector<16xi32>,
      %parallel_loop3A_157 = arith.index_cast %parallel_loop3A_149 : i32 to index
      %parallel_loop3A_158 = arith.constant 16 : index
      %parallel_loop3A_159 = tpu.vector_load %arg7[%parallel_loop3A_157, %parallel_loop3A_158] {strides = array<i32>} : memref<200x128xi32, #tpu.memory_space<vmem>>, vector<16xi32>,
      %parallel_loop3A_160 = tpu.vector_load_idx %arg6[%parallel_loop3A_159] : memref<1024xi32, #tpu.memory_space<vmem>>[vector<16xi32>], vector<16xi32>,
      %parallel_loop3A_161 = arith.index_cast %parallel_loop3A_149 : i32 to index
      %parallel_loop3A_162 = arith.constant 16 : index
      %parallel_loop3A_163 = tpu.vector_load %arg8[%parallel_loop3A_161, %parallel_loop3A_162] {strides = array<i32>} : memref<200x128xi32, #tpu.memory_space<vmem>>, vector<16xi32>,
      tpu.vector_store %arg8[%parallel_loop3A_161, %parallel_loop3A_162], %parallel_loop3A_160 {strides = array<i32>} : memref<200x128xi32, #tpu.memory_space<vmem>>, vector<16xi32>,
      %parallel_loop3A_164 = arith.index_cast %parallel_loop3A_149 : i32 to index
      %parallel_loop3A_165 = arith.constant 32 : index
      %parallel_loop3A_166 = tpu.vector_load %arg7[%parallel_loop3A_164, %parallel_loop3A_165] {strides = array<i32>} : memref<200x128xi32, #tpu.memory_space<vmem>>, vector<16xi32>,
      %parallel_loop3A_167 = tpu.vector_load_idx %arg6[%parallel_loop3A_166] : memref<1024xi32, #tpu.memory_space<vmem>>[vector<16xi32>], vector<16xi32>,
      %parallel_loop3A_168 = arith.index_cast %parallel_loop3A_149 : i32 to index
      %parallel_loop3A_169 = arith.constant 32 : index
      %parallel_loop3A_170 = tpu.vector_load %arg8[%parallel_loop3A_168, %parallel_loop3A_169] {strides = array<i32>} : memref<200x128xi32, #tpu.memory_space<vmem>>, vector<16xi32>,
      tpu.vector_store %arg8[%parallel_loop3A_168, %parallel_loop3A_169], %parallel_loop3A_167 {strides = array<i32>} : memref<200x128xi32, #tpu.memory_space<vmem>>, vector<16xi32>,
      %parallel_loop3A_171 = arith.index_cast %parallel_loop3A_149 : i32 to index
      %parallel_loop3A_172 = arith.constant 48 : index
      %parallel_loop3A_173 = tpu.vector_load %arg7[%parallel_loop3A_171, %parallel_loop3A_172] {strides = array<i32>} : memref<200x128xi32, #tpu.memory_space<vmem>>, vector<16xi32>,
      %parallel_loop3A_174 = tpu.vector_load_idx %arg6[%parallel_loop3A_173] : memref<1024xi32, #tpu.memory_space<vmem>>[vector<16xi32>], vector<16xi32>,
      %parallel_loop3A_175 = arith.index_cast %parallel_loop3A_149 : i32 to index
      %parallel_loop3A_176 = arith.constant 48 : index
      %parallel_loop3A_177 = tpu.vector_load %arg8[%parallel_loop3A_175, %parallel_loop3A_176] {strides = array<i32>} : memref<200x128xi32, #tpu.memory_space<vmem>>, vector<16xi32>,
      tpu.vector_store %arg8[%parallel_loop3A_175, %parallel_loop3A_176], %parallel_loop3A_174 {strides = array<i32>} : memref<200x128xi32, #tpu.memory_space<vmem>>, vector<16xi32>,
      %parallel_loop3A_178 = arith.index_cast %parallel_loop3A_149 : i32 to index
      %parallel_loop3A_179 = arith.constant 64 : index
      %parallel_loop3A_180 = tpu.vector_load %arg7[%parallel_loop3A_178, %parallel_loop3A_179] {strides = array<i32>} : memref<200x128xi32, #tpu.memory_space<vmem>>, vector<16xi32>,
      %parallel_loop3A_181 = tpu.vector_load_idx %arg6[%parallel_loop3A_180] : memref<1024xi32, #tpu.memory_space<vmem>>[vector<16xi32>], vector<16xi32>,
      %parallel_loop3A_182 = arith.index_cast %parallel_loop3A_149 : i32 to index
      %parallel_loop3A_183 = arith.constant 64 : index
      %parallel_loop3A_184 = tpu.vector_load %arg8[%parallel_loop3A_182, %parallel_loop3A_183] {strides = array<i32>} : memref<200x128xi32, #tpu.memory_space<vmem>>, vector<16xi32>,
      tpu.vector_store %arg8[%parallel_loop3A_182, %parallel_loop3A_183], %parallel_loop3A_181 {strides = array<i32>} : memref<200x128xi32, #tpu.memory_space<vmem>>, vector<16xi32>,
      %parallel_loop3A_185 = arith.index_cast %parallel_loop3A_149 : i32 to index
      %parallel_loop3A_186 = arith.constant 80 : index
      %parallel_loop3A_187 = tpu.vector_load %arg7[%parallel_loop3A_185, %parallel_loop3A_186] {strides = array<i32>} : memref<200x128xi32, #tpu.memory_space<vmem>>, vector<16xi32>,
      %parallel_loop3A_188 = tpu.vector_load_idx %arg6[%parallel_loop3A_187] : memref<1024xi32, #tpu.memory_space<vmem>>[vector<16xi32>], vector<16xi32>,
      %parallel_loop3A_189 = arith.index_cast %parallel_loop3A_149 : i32 to index
      %parallel_loop3A_190 = arith.constant 80 : index
      %parallel_loop3A_191 = tpu.vector_load %arg8[%parallel_loop3A_189, %parallel_loop3A_190] {strides = array<i32>} : memref<200x128xi32, #tpu.memory_space<vmem>>, vector<16xi32>,
      tpu.vector_store %arg8[%parallel_loop3A_189, %parallel_loop3A_190], %parallel_loop3A_188 {strides = array<i32>} : memref<200x128xi32, #tpu.memory_space<vmem>>, vector<16xi32>,
      %parallel_loop3A_192 = arith.index_cast %parallel_loop3A_149 : i32 to index
      %parallel_loop3A_193 = arith.constant 96 : index
      %parallel_loop3A_194 = tpu.vector_load %arg7[%parallel_loop3A_192, %parallel_loop3A_193] {strides = array<i32>} : memref<200x128xi32, #tpu.memory_space<vmem>>, vector<16xi32>,
      %parallel_loop3A_195 = tpu.vector_load_idx %arg6[%parallel_loop3A_194] : memref<1024xi32, #tpu.memory_space<vmem>>[vector<16xi32>], vector<16xi32>,
      %parallel_loop3A_196 = arith.index_cast %parallel_loop3A_149 : i32 to index
      %parallel_loop3A_197 = arith.constant 96 : index
      %parallel_loop3A_198 = tpu.vector_load %arg8[%parallel_loop3A_196, %parallel_loop3A_197] {strides = array<i32>} : memref<200x128xi32, #tpu.memory_space<vmem>>, vector<16xi32>,
      tpu.vector_store %arg8[%parallel_loop3A_196, %parallel_loop3A_197], %parallel_loop3A_195 {strides = array<i32>} : memref<200x128xi32, #tpu.memory_space<vmem>>, vector<16xi32>,
      %parallel_loop3A_199 = arith.index_cast %parallel_loop3A_149 : i32 to index
      %parallel_loop3A_200 = arith.constant 112 : index
      %parallel_loop3A_201 = tpu.vector_load %arg7[%parallel_loop3A_199, %parallel_loop3A_200] {strides = array<i32>} : memref<200x128xi32, #tpu.memory_space<vmem>>, vector<16xi32>,
      %parallel_loop3A_202 = tpu.vector_load_idx %arg6[%parallel_loop3A_201] : memref<1024xi32, #tpu.memory_space<vmem>>[vector<16xi32>], vector<16xi32>,
      %parallel_loop3A_203 = arith.index_cast %parallel_loop3A_149 : i32 to index
      %parallel_loop3A_204 = arith.constant 112 : index
      %parallel_loop3A_205 = tpu.vector_load %arg8[%parallel_loop3A_203, %parallel_loop3A_204] {strides = array<i32>} : memref<200x128xi32, #tpu.memory_space<vmem>>, vector<16xi32>,
      tpu.vector_store %arg8[%parallel_loop3A_203, %parallel_loop3A_204], %parallel_loop3A_202 {strides = array<i32>} : memref<200x128xi32, #tpu.memory_space<vmem>>, vector<16xi32>,
    } {sc.loop_unroll_factor = 1 : i64, sc.parallel_access}
    %dma_start3A_73 = arith.constant 56 : i32
    %dma_start3A_74 = arith.constant 0 : i32
    %dma_start3A_75 = tpu.memref_slice %arg8[%dma_start3A_73, %dma_start3A_74] : memref<200x128xi32, #tpu.memory_space<vmem>> -> memref<56x128xi32, #tpu.memory_space<vmem>>
    %dma_start3A_76 = arith.constant 56 : i32
    %dma_start3A_77 = tpu.memref_slice %arg4[%dma_start3A_76, %mul3A_2] : memref<200x4096xi32, #tpu.memory_space<hbm>> -> memref<56x128xi32, #tpu.memory_space<hbm>>
    %dma_start3A_78 = arith.constant 56 : i32
    %dma_start3A_79 = tpu.memref_slice %arg4[%dma_start3A_78, %mul3A_2] : memref<200x4096xi32, #tpu.memory_space<hbm>> -> memref<56x128xi32, #tpu.memory_space<hbm>>
    %dma_start3A_80 = arith.constant 56 : i32
    %dma_start3A_81 = arith.constant 0 : i32
    %dma_start3A_82 = tpu.memref_slice %arg8[%dma_start3A_80, %dma_start3A_81] : memref<200x128xi32, #tpu.memory_space<vmem>> -> memref<56x128xi32, #tpu.memory_space<vmem>>
    tpu.enqueue_dma source(%dma_start3A_82 : memref<56x128xi32, #tpu.memory_space<vmem>>) target(%dma_start3A_79 : memref<56x128xi32, #tpu.memory_space<hbm>>) target_semaphore(%arg12 : memref<!tpu.dma_semaphore, #tpu.memory_space<semaphore_mem>>)
    %parallel_loop3A_83 = arith.constant 112 : i32
    %parallel_loop3A_84 = arith.constant 160 : i32
    %parallel_loop3A_85 = arith.constant 1 : i32
    scf.for %parallel_loop3A_149 = %parallel_loop3A_83 to %parallel_loop3A_84 step %parallel_loop3A_85  : i32 {
      %parallel_loop3A_150 = arith.index_cast %parallel_loop3A_149 : i32 to index
      %parallel_loop3A_151 = arith.constant 0 : index
      %parallel_loop3A_152 = tpu.vector_load %arg7[%parallel_loop3A_150, %parallel_loop3A_151] {strides = array<i32>} : memref<200x128xi32, #tpu.memory_space<vmem>>, vector<16xi32>,
      %parallel_loop3A_153 = tpu.vector_load_idx %arg6[%parallel_loop3A_152] : memref<1024xi32, #tpu.memory_space<vmem>>[vector<16xi32>], vector<16xi32>,
      %parallel_loop3A_154 = arith.index_cast %parallel_loop3A_149 : i32 to index
      %parallel_loop3A_155 = arith.constant 0 : index
      %parallel_loop3A_156 = tpu.vector_load %arg8[%parallel_loop3A_154, %parallel_loop3A_155] {strides = array<i32>} : memref<200x128xi32, #tpu.memory_space<vmem>>, vector<16xi32>,
      tpu.vector_store %arg8[%parallel_loop3A_154, %parallel_loop3A_155], %parallel_loop3A_153 {strides = array<i32>} : memref<200x128xi32, #tpu.memory_space<vmem>>, vector<16xi32>,
      %parallel_loop3A_157 = arith.index_cast %parallel_loop3A_149 : i32 to index
      %parallel_loop3A_158 = arith.constant 16 : index
      %parallel_loop3A_159 = tpu.vector_load %arg7[%parallel_loop3A_157, %parallel_loop3A_158] {strides = array<i32>} : memref<200x128xi32, #tpu.memory_space<vmem>>, vector<16xi32>,
      %parallel_loop3A_160 = tpu.vector_load_idx %arg6[%parallel_loop3A_159] : memref<1024xi32, #tpu.memory_space<vmem>>[vector<16xi32>], vector<16xi32>,
      %parallel_loop3A_161 = arith.index_cast %parallel_loop3A_149 : i32 to index
      %parallel_loop3A_162 = arith.constant 16 : index
      %parallel_loop3A_163 = tpu.vector_load %arg8[%parallel_loop3A_161, %parallel_loop3A_162] {strides = array<i32>} : memref<200x128xi32, #tpu.memory_space<vmem>>, vector<16xi32>,
      tpu.vector_store %arg8[%parallel_loop3A_161, %parallel_loop3A_162], %parallel_loop3A_160 {strides = array<i32>} : memref<200x128xi32, #tpu.memory_space<vmem>>, vector<16xi32>,
      %parallel_loop3A_164 = arith.index_cast %parallel_loop3A_149 : i32 to index
      %parallel_loop3A_165 = arith.constant 32 : index
      %parallel_loop3A_166 = tpu.vector_load %arg7[%parallel_loop3A_164, %parallel_loop3A_165] {strides = array<i32>} : memref<200x128xi32, #tpu.memory_space<vmem>>, vector<16xi32>,
      %parallel_loop3A_167 = tpu.vector_load_idx %arg6[%parallel_loop3A_166] : memref<1024xi32, #tpu.memory_space<vmem>>[vector<16xi32>], vector<16xi32>,
      %parallel_loop3A_168 = arith.index_cast %parallel_loop3A_149 : i32 to index
      %parallel_loop3A_169 = arith.constant 32 : index
      %parallel_loop3A_170 = tpu.vector_load %arg8[%parallel_loop3A_168, %parallel_loop3A_169] {strides = array<i32>} : memref<200x128xi32, #tpu.memory_space<vmem>>, vector<16xi32>,
      tpu.vector_store %arg8[%parallel_loop3A_168, %parallel_loop3A_169], %parallel_loop3A_167 {strides = array<i32>} : memref<200x128xi32, #tpu.memory_space<vmem>>, vector<16xi32>,
      %parallel_loop3A_171 = arith.index_cast %parallel_loop3A_149 : i32 to index
      %parallel_loop3A_172 = arith.constant 48 : index
      %parallel_loop3A_173 = tpu.vector_load %arg7[%parallel_loop3A_171, %parallel_loop3A_172] {strides = array<i32>} : memref<200x128xi32, #tpu.memory_space<vmem>>, vector<16xi32>,
      %parallel_loop3A_174 = tpu.vector_load_idx %arg6[%parallel_loop3A_173] : memref<1024xi32, #tpu.memory_space<vmem>>[vector<16xi32>], vector<16xi32>,
      %parallel_loop3A_175 = arith.index_cast %parallel_loop3A_149 : i32 to index
      %parallel_loop3A_176 = arith.constant 48 : index
      %parallel_loop3A_177 = tpu.vector_load %arg8[%parallel_loop3A_175, %parallel_loop3A_176] {strides = array<i32>} : memref<200x128xi32, #tpu.memory_space<vmem>>, vector<16xi32>,
      tpu.vector_store %arg8[%parallel_loop3A_175, %parallel_loop3A_176], %parallel_loop3A_174 {strides = array<i32>} : memref<200x128xi32, #tpu.memory_space<vmem>>, vector<16xi32>,
      %parallel_loop3A_178 = arith.index_cast %parallel_loop3A_149 : i32 to index
      %parallel_loop3A_179 = arith.constant 64 : index
      %parallel_loop3A_180 = tpu.vector_load %arg7[%parallel_loop3A_178, %parallel_loop3A_179] {strides = array<i32>} : memref<200x128xi32, #tpu.memory_space<vmem>>, vector<16xi32>,
      %parallel_loop3A_181 = tpu.vector_load_idx %arg6[%parallel_loop3A_180] : memref<1024xi32, #tpu.memory_space<vmem>>[vector<16xi32>], vector<16xi32>,
      %parallel_loop3A_182 = arith.index_cast %parallel_loop3A_149 : i32 to index
      %parallel_loop3A_183 = arith.constant 64 : index
      %parallel_loop3A_184 = tpu.vector_load %arg8[%parallel_loop3A_182, %parallel_loop3A_183] {strides = array<i32>} : memref<200x128xi32, #tpu.memory_space<vmem>>, vector<16xi32>,
      tpu.vector_store %arg8[%parallel_loop3A_182, %parallel_loop3A_183], %parallel_loop3A_181 {strides = array<i32>} : memref<200x128xi32, #tpu.memory_space<vmem>>, vector<16xi32>,
      %parallel_loop3A_185 = arith.index_cast %parallel_loop3A_149 : i32 to index
      %parallel_loop3A_186 = arith.constant 80 : index
      %parallel_loop3A_187 = tpu.vector_load %arg7[%parallel_loop3A_185, %parallel_loop3A_186] {strides = array<i32>} : memref<200x128xi32, #tpu.memory_space<vmem>>, vector<16xi32>,
      %parallel_loop3A_188 = tpu.vector_load_idx %arg6[%parallel_loop3A_187] : memref<1024xi32, #tpu.memory_space<vmem>>[vector<16xi32>], vector<16xi32>,
      %parallel_loop3A_189 = arith.index_cast %parallel_loop3A_149 : i32 to index
      %parallel_loop3A_190 = arith.constant 80 : index
      %parallel_loop3A_191 = tpu.vector_load %arg8[%parallel_loop3A_189, %parallel_loop3A_190] {strides = array<i32>} : memref<200x128xi32, #tpu.memory_space<vmem>>, vector<16xi32>,
      tpu.vector_store %arg8[%parallel_loop3A_189, %parallel_loop3A_190], %parallel_loop3A_188 {strides = array<i32>} : memref<200x128xi32, #tpu.memory_space<vmem>>, vector<16xi32>,
      %parallel_loop3A_192 = arith.index_cast %parallel_loop3A_149 : i32 to index
      %parallel_loop3A_193 = arith.constant 96 : index
      %parallel_loop3A_194 = tpu.vector_load %arg7[%parallel_loop3A_192, %parallel_loop3A_193] {strides = array<i32>} : memref<200x128xi32, #tpu.memory_space<vmem>>, vector<16xi32>,
      %parallel_loop3A_195 = tpu.vector_load_idx %arg6[%parallel_loop3A_194] : memref<1024xi32, #tpu.memory_space<vmem>>[vector<16xi32>], vector<16xi32>,
      %parallel_loop3A_196 = arith.index_cast %parallel_loop3A_149 : i32 to index
      %parallel_loop3A_197 = arith.constant 96 : index
      %parallel_loop3A_198 = tpu.vector_load %arg8[%parallel_loop3A_196, %parallel_loop3A_197] {strides = array<i32>} : memref<200x128xi32, #tpu.memory_space<vmem>>, vector<16xi32>,
      tpu.vector_store %arg8[%parallel_loop3A_196, %parallel_loop3A_197], %parallel_loop3A_195 {strides = array<i32>} : memref<200x128xi32, #tpu.memory_space<vmem>>, vector<16xi32>,
      %parallel_loop3A_199 = arith.index_cast %parallel_loop3A_149 : i32 to index
      %parallel_loop3A_200 = arith.constant 112 : index
      %parallel_loop3A_201 = tpu.vector_load %arg7[%parallel_loop3A_199, %parallel_loop3A_200] {strides = array<i32>} : memref<200x128xi32, #tpu.memory_space<vmem>>, vector<16xi32>,
      %parallel_loop3A_202 = tpu.vector_load_idx %arg6[%parallel_loop3A_201] : memref<1024xi32, #tpu.memory_space<vmem>>[vector<16xi32>], vector<16xi32>,
      %parallel_loop3A_203 = arith.index_cast %parallel_loop3A_149 : i32 to index
      %parallel_loop3A_204 = arith.constant 112 : index
      %parallel_loop3A_205 = tpu.vector_load %arg8[%parallel_loop3A_203, %parallel_loop3A_204] {strides = array<i32>} : memref<200x128xi32, #tpu.memory_space<vmem>>, vector<16xi32>,
      tpu.vector_store %arg8[%parallel_loop3A_203, %parallel_loop3A_204], %parallel_loop3A_202 {strides = array<i32>} : memref<200x128xi32, #tpu.memory_space<vmem>>, vector<16xi32>,
    } {sc.loop_unroll_factor = 1 : i64, sc.parallel_access}
    %dma_start3A_86 = arith.constant 112 : i32
    %dma_start3A_87 = arith.constant 0 : i32
    %dma_start3A_88 = tpu.memref_slice %arg8[%dma_start3A_86, %dma_start3A_87] : memref<200x128xi32, #tpu.memory_space<vmem>> -> memref<48x128xi32, #tpu.memory_space<vmem>>
    %dma_start3A_89 = arith.constant 112 : i32
    %dma_start3A_90 = tpu.memref_slice %arg4[%dma_start3A_89, %mul3A_2] : memref<200x4096xi32, #tpu.memory_space<hbm>> -> memref<48x128xi32, #tpu.memory_space<hbm>>
    %dma_start3A_91 = arith.constant 112 : i32
    %dma_start3A_92 = tpu.memref_slice %arg4[%dma_start3A_91, %mul3A_2] : memref<200x4096xi32, #tpu.memory_space<hbm>> -> memref<48x128xi32, #tpu.memory_space<hbm>>
    %dma_start3A_93 = arith.constant 112 : i32
    %dma_start3A_94 = arith.constant 0 : i32
    %dma_start3A_95 = tpu.memref_slice %arg8[%dma_start3A_93, %dma_start3A_94] : memref<200x128xi32, #tpu.memory_space<vmem>> -> memref<48x128xi32, #tpu.memory_space<vmem>>
    tpu.enqueue_dma source(%dma_start3A_95 : memref<48x128xi32, #tpu.memory_space<vmem>>) target(%dma_start3A_92 : memref<48x128xi32, #tpu.memory_space<hbm>>) target_semaphore(%arg12 : memref<!tpu.dma_semaphore, #tpu.memory_space<semaphore_mem>>)
    %parallel_loop3A_96 = arith.constant 160 : i32
    %parallel_loop3A_97 = arith.constant 200 : i32
    %parallel_loop3A_98 = arith.constant 1 : i32
    scf.for %parallel_loop3A_149 = %parallel_loop3A_96 to %parallel_loop3A_97 step %parallel_loop3A_98  : i32 {
      %parallel_loop3A_150 = arith.index_cast %parallel_loop3A_149 : i32 to index
      %parallel_loop3A_151 = arith.constant 0 : index
      %parallel_loop3A_152 = tpu.vector_load %arg7[%parallel_loop3A_150, %parallel_loop3A_151] {strides = array<i32>} : memref<200x128xi32, #tpu.memory_space<vmem>>, vector<16xi32>,
      %parallel_loop3A_153 = tpu.vector_load_idx %arg6[%parallel_loop3A_152] : memref<1024xi32, #tpu.memory_space<vmem>>[vector<16xi32>], vector<16xi32>,
      %parallel_loop3A_154 = arith.index_cast %parallel_loop3A_149 : i32 to index
      %parallel_loop3A_155 = arith.constant 0 : index
      %parallel_loop3A_156 = tpu.vector_load %arg8[%parallel_loop3A_154, %parallel_loop3A_155] {strides = array<i32>} : memref<200x128xi32, #tpu.memory_space<vmem>>, vector<16xi32>,
      tpu.vector_store %arg8[%parallel_loop3A_154, %parallel_loop3A_155], %parallel_loop3A_153 {strides = array<i32>} : memref<200x128xi32, #tpu.memory_space<vmem>>, vector<16xi32>,
      %parallel_loop3A_157 = arith.index_cast %parallel_loop3A_149 : i32 to index
      %parallel_loop3A_158 = arith.constant 16 : index
      %parallel_loop3A_159 = tpu.vector_load %arg7[%parallel_loop3A_157, %parallel_loop3A_158] {strides = array<i32>} : memref<200x128xi32, #tpu.memory_space<vmem>>, vector<16xi32>,
      %parallel_loop3A_160 = tpu.vector_load_idx %arg6[%parallel_loop3A_159] : memref<1024xi32, #tpu.memory_space<vmem>>[vector<16xi32>], vector<16xi32>,
      %parallel_loop3A_161 = arith.index_cast %parallel_loop3A_149 : i32 to index
      %parallel_loop3A_162 = arith.constant 16 : index
      %parallel_loop3A_163 = tpu.vector_load %arg8[%parallel_loop3A_161, %parallel_loop3A_162] {strides = array<i32>} : memref<200x128xi32, #tpu.memory_space<vmem>>, vector<16xi32>,
      tpu.vector_store %arg8[%parallel_loop3A_161, %parallel_loop3A_162], %parallel_loop3A_160 {strides = array<i32>} : memref<200x128xi32, #tpu.memory_space<vmem>>, vector<16xi32>,
      %parallel_loop3A_164 = arith.index_cast %parallel_loop3A_149 : i32 to index
      %parallel_loop3A_165 = arith.constant 32 : index
      %parallel_loop3A_166 = tpu.vector_load %arg7[%parallel_loop3A_164, %parallel_loop3A_165] {strides = array<i32>} : memref<200x128xi32, #tpu.memory_space<vmem>>, vector<16xi32>,
      %parallel_loop3A_167 = tpu.vector_load_idx %arg6[%parallel_loop3A_166] : memref<1024xi32, #tpu.memory_space<vmem>>[vector<16xi32>], vector<16xi32>,
      %parallel_loop3A_168 = arith.index_cast %parallel_loop3A_149 : i32 to index
      %parallel_loop3A_169 = arith.constant 32 : index
      %parallel_loop3A_170 = tpu.vector_load %arg8[%parallel_loop3A_168, %parallel_loop3A_169] {strides = array<i32>} : memref<200x128xi32, #tpu.memory_space<vmem>>, vector<16xi32>,
      tpu.vector_store %arg8[%parallel_loop3A_168, %parallel_loop3A_169], %parallel_loop3A_167 {strides = array<i32>} : memref<200x128xi32, #tpu.memory_space<vmem>>, vector<16xi32>,
      %parallel_loop3A_171 = arith.index_cast %parallel_loop3A_149 : i32 to index
      %parallel_loop3A_172 = arith.constant 48 : index
      %parallel_loop3A_173 = tpu.vector_load %arg7[%parallel_loop3A_171, %parallel_loop3A_172] {strides = array<i32>} : memref<200x128xi32, #tpu.memory_space<vmem>>, vector<16xi32>,
      %parallel_loop3A_174 = tpu.vector_load_idx %arg6[%parallel_loop3A_173] : memref<1024xi32, #tpu.memory_space<vmem>>[vector<16xi32>], vector<16xi32>,
      %parallel_loop3A_175 = arith.index_cast %parallel_loop3A_149 : i32 to index
      %parallel_loop3A_176 = arith.constant 48 : index
      %parallel_loop3A_177 = tpu.vector_load %arg8[%parallel_loop3A_175, %parallel_loop3A_176] {strides = array<i32>} : memref<200x128xi32, #tpu.memory_space<vmem>>, vector<16xi32>,
      tpu.vector_store %arg8[%parallel_loop3A_175, %parallel_loop3A_176], %parallel_loop3A_174 {strides = array<i32>} : memref<200x128xi32, #tpu.memory_space<vmem>>, vector<16xi32>,
      %parallel_loop3A_178 = arith.index_cast %parallel_loop3A_149 : i32 to index
      %parallel_loop3A_179 = arith.constant 64 : index
      %parallel_loop3A_180 = tpu.vector_load %arg7[%parallel_loop3A_178, %parallel_loop3A_179] {strides = array<i32>} : memref<200x128xi32, #tpu.memory_space<vmem>>, vector<16xi32>,
      %parallel_loop3A_181 = tpu.vector_load_idx %arg6[%parallel_loop3A_180] : memref<1024xi32, #tpu.memory_space<vmem>>[vector<16xi32>], vector<16xi32>,
      %parallel_loop3A_182 = arith.index_cast %parallel_loop3A_149 : i32 to index
      %parallel_loop3A_183 = arith.constant 64 : index
      %parallel_loop3A_184 = tpu.vector_load %arg8[%parallel_loop3A_182, %parallel_loop3A_183] {strides = array<i32>} : memref<200x128xi32, #tpu.memory_space<vmem>>, vector<16xi32>,
      tpu.vector_store %arg8[%parallel_loop3A_182, %parallel_loop3A_183], %parallel_loop3A_181 {strides = array<i32>} : memref<200x128xi32, #tpu.memory_space<vmem>>, vector<16xi32>,
      %parallel_loop3A_185 = arith.index_cast %parallel_loop3A_149 : i32 to index
      %parallel_loop3A_186 = arith.constant 80 : index
      %parallel_loop3A_187 = tpu.vector_load %arg7[%parallel_loop3A_185, %parallel_loop3A_186] {strides = array<i32>} : memref<200x128xi32, #tpu.memory_space<vmem>>, vector<16xi32>,
      %parallel_loop3A_188 = tpu.vector_load_idx %arg6[%parallel_loop3A_187] : memref<1024xi32, #tpu.memory_space<vmem>>[vector<16xi32>], vector<16xi32>,
      %parallel_loop3A_189 = arith.index_cast %parallel_loop3A_149 : i32 to index
      %parallel_loop3A_190 = arith.constant 80 : index
      %parallel_loop3A_191 = tpu.vector_load %arg8[%parallel_loop3A_189, %parallel_loop3A_190] {strides = array<i32>} : memref<200x128xi32, #tpu.memory_space<vmem>>, vector<16xi32>,
      tpu.vector_store %arg8[%parallel_loop3A_189, %parallel_loop3A_190], %parallel_loop3A_188 {strides = array<i32>} : memref<200x128xi32, #tpu.memory_space<vmem>>, vector<16xi32>,
      %parallel_loop3A_192 = arith.index_cast %parallel_loop3A_149 : i32 to index
      %parallel_loop3A_193 = arith.constant 96 : index
      %parallel_loop3A_194 = tpu.vector_load %arg7[%parallel_loop3A_192, %parallel_loop3A_193] {strides = array<i32>} : memref<200x128xi32, #tpu.memory_space<vmem>>, vector<16xi32>,
      %parallel_loop3A_195 = tpu.vector_load_idx %arg6[%parallel_loop3A_194] : memref<1024xi32, #tpu.memory_space<vmem>>[vector<16xi32>], vector<16xi32>,
      %parallel_loop3A_196 = arith.index_cast %parallel_loop3A_149 : i32 to index
      %parallel_loop3A_197 = arith.constant 96 : index
      %parallel_loop3A_198 = tpu.vector_load %arg8[%parallel_loop3A_196, %parallel_loop3A_197] {strides = array<i32>} : memref<200x128xi32, #tpu.memory_space<vmem>>, vector<16xi32>,
      tpu.vector_store %arg8[%parallel_loop3A_196, %parallel_loop3A_197], %parallel_loop3A_195 {strides = array<i32>} : memref<200x128xi32, #tpu.memory_space<vmem>>, vector<16xi32>,
      %parallel_loop3A_199 = arith.index_cast %parallel_loop3A_149 : i32 to index
      %parallel_loop3A_200 = arith.constant 112 : index
      %parallel_loop3A_201 = tpu.vector_load %arg7[%parallel_loop3A_199, %parallel_loop3A_200] {strides = array<i32>} : memref<200x128xi32, #tpu.memory_space<vmem>>, vector<16xi32>,
      %parallel_loop3A_202 = tpu.vector_load_idx %arg6[%parallel_loop3A_201] : memref<1024xi32, #tpu.memory_space<vmem>>[vector<16xi32>], vector<16xi32>,
      %parallel_loop3A_203 = arith.index_cast %parallel_loop3A_149 : i32 to index
      %parallel_loop3A_204 = arith.constant 112 : index
      %parallel_loop3A_205 = tpu.vector_load %arg8[%parallel_loop3A_203, %parallel_loop3A_204] {strides = array<i32>} : memref<200x128xi32, #tpu.memory_space<vmem>>, vector<16xi32>,
      tpu.vector_store %arg8[%parallel_loop3A_203, %parallel_loop3A_204], %parallel_loop3A_202 {strides = array<i32>} : memref<200x128xi32, #tpu.memory_space<vmem>>, vector<16xi32>,
    } {sc.loop_unroll_factor = 1 : i64, sc.parallel_access}
    %dma_start3A_99 = arith.constant 160 : i32
    %dma_start3A_100 = arith.constant 0 : i32
    %dma_start3A_101 = tpu.memref_slice %arg8[%dma_start3A_99, %dma_start3A_100] : memref<200x128xi32, #tpu.memory_space<vmem>> -> memref<40x128xi32, #tpu.memory_space<vmem>>
    %dma_start3A_102 = arith.constant 160 : i32
    %dma_start3A_103 = tpu.memref_slice %arg4[%dma_start3A_102, %mul3A_2] : memref<200x4096xi32, #tpu.memory_space<hbm>> -> memref<40x128xi32, #tpu.memory_space<hbm>>
    %dma_start3A_104 = arith.constant 160 : i32
    %dma_start3A_105 = tpu.memref_slice %arg4[%dma_start3A_104, %mul3A_2] : memref<200x4096xi32, #tpu.memory_space<hbm>> -> memref<40x128xi32, #tpu.memory_space<hbm>>
    %dma_start3A_106 = arith.constant 160 : i32
    %dma_start3A_107 = arith.constant 0 : i32
    %dma_start3A_108 = tpu.memref_slice %arg8[%dma_start3A_106, %dma_start3A_107] : memref<200x128xi32, #tpu.memory_space<vmem>> -> memref<40x128xi32, #tpu.memory_space<vmem>>
    tpu.enqueue_dma source(%dma_start3A_108 : memref<40x128xi32, #tpu.memory_space<vmem>>) target(%dma_start3A_105 : memref<40x128xi32, #tpu.memory_space<hbm>>) target_semaphore(%arg12 : memref<!tpu.dma_semaphore, #tpu.memory_space<semaphore_mem>>)
    %dma_wait3A_109 = arith.constant 0 : i32
    %dma_wait3A_110 = arith.constant 0 : i32
    %dma_wait3A_111 = tpu.memref_slice %arg8[%dma_wait3A_109, %dma_wait3A_110] : memref<200x128xi32, #tpu.memory_space<vmem>> -> memref<56x128xi32, #tpu.memory_space<vmem>>
    %dma_wait3A_112 = arith.constant 0 : i32
    %dma_wait3A_113 = tpu.memref_slice %arg4[%dma_wait3A_112, %mul3A_2] : memref<200x4096xi32, #tpu.memory_space<hbm>> -> memref<56x128xi32, #tpu.memory_space<hbm>>
    %dma_wait3A_114 = arith.constant 0 : i32
    %dma_wait3A_115 = tpu.memref_slice %arg4[%dma_wait3A_114, %mul3A_2] : memref<200x4096xi32, #tpu.memory_space<hbm>> -> memref<56x128xi32, #tpu.memory_space<hbm>>
    %dma_wait3A_116 = arith.constant 0 : i32
    %dma_wait3A_117 = arith.constant 0 : i32
    %dma_wait3A_118 = tpu.memref_slice %arg8[%dma_wait3A_116, %dma_wait3A_117] : memref<200x128xi32, #tpu.memory_space<vmem>> -> memref<56x128xi32, #tpu.memory_space<vmem>>
    tpu.wait_dma2 semaphore(%arg12 : memref<!tpu.dma_semaphore, #tpu.memory_space<semaphore_mem>>) src(%dma_wait3A_118 : memref<56x128xi32, #tpu.memory_space<vmem>>) dst(%dma_wait3A_115 : memref<56x128xi32, #tpu.memory_space<hbm>>)
    %dma_wait3A_119 = arith.constant 56 : i32
    %dma_wait3A_120 = arith.constant 0 : i32
    %dma_wait3A_121 = tpu.memref_slice %arg8[%dma_wait3A_119, %dma_wait3A_120] : memref<200x128xi32, #tpu.memory_space<vmem>> -> memref<56x128xi32, #tpu.memory_space<vmem>>
    %dma_wait3A_122 = arith.constant 56 : i32
    %dma_wait3A_123 = tpu.memref_slice %arg4[%dma_wait3A_122, %mul3A_2] : memref<200x4096xi32, #tpu.memory_space<hbm>> -> memref<56x128xi32, #tpu.memory_space<hbm>>
    %dma_wait3A_124 = arith.constant 56 : i32
    %dma_wait3A_125 = tpu.memref_slice %arg4[%dma_wait3A_124, %mul3A_2] : memref<200x4096xi32, #tpu.memory_space<hbm>> -> memref<56x128xi32, #tpu.memory_space<hbm>>
    %dma_wait3A_126 = arith.constant 56 : i32
    %dma_wait3A_127 = arith.constant 0 : i32
    %dma_wait3A_128 = tpu.memref_slice %arg8[%dma_wait3A_126, %dma_wait3A_127] : memref<200x128xi32, #tpu.memory_space<vmem>> -> memref<56x128xi32, #tpu.memory_space<vmem>>
    tpu.wait_dma2 semaphore(%arg12 : memref<!tpu.dma_semaphore, #tpu.memory_space<semaphore_mem>>) src(%dma_wait3A_128 : memref<56x128xi32, #tpu.memory_space<vmem>>) dst(%dma_wait3A_125 : memref<56x128xi32, #tpu.memory_space<hbm>>)
    %dma_wait3A_129 = arith.constant 112 : i32
    %dma_wait3A_130 = arith.constant 0 : i32
    %dma_wait3A_131 = tpu.memref_slice %arg8[%dma_wait3A_129, %dma_wait3A_130] : memref<200x128xi32, #tpu.memory_space<vmem>> -> memref<48x128xi32, #tpu.memory_space<vmem>>
    %dma_wait3A_132 = arith.constant 112 : i32
    %dma_wait3A_133 = tpu.memref_slice %arg4[%dma_wait3A_132, %mul3A_2] : memref<200x4096xi32, #tpu.memory_space<hbm>> -> memref<48x128xi32, #tpu.memory_space<hbm>>
    %dma_wait3A_134 = arith.constant 112 : i32
    %dma_wait3A_135 = tpu.memref_slice %arg4[%dma_wait3A_134, %mul3A_2] : memref<200x4096xi32, #tpu.memory_space<hbm>> -> memref<48x128xi32, #tpu.memory_space<hbm>>
    %dma_wait3A_136 = arith.constant 112 : i32
    %dma_wait3A_137 = arith.constant 0 : i32
    %dma_wait3A_138 = tpu.memref_slice %arg8[%dma_wait3A_136, %dma_wait3A_137] : memref<200x128xi32, #tpu.memory_space<vmem>> -> memref<48x128xi32, #tpu.memory_space<vmem>>
    tpu.wait_dma2 semaphore(%arg12 : memref<!tpu.dma_semaphore, #tpu.memory_space<semaphore_mem>>) src(%dma_wait3A_138 : memref<48x128xi32, #tpu.memory_space<vmem>>) dst(%dma_wait3A_135 : memref<48x128xi32, #tpu.memory_space<hbm>>)
    %dma_wait3A_139 = arith.constant 160 : i32
    %dma_wait3A_140 = arith.constant 0 : i32
    %dma_wait3A_141 = tpu.memref_slice %arg8[%dma_wait3A_139, %dma_wait3A_140] : memref<200x128xi32, #tpu.memory_space<vmem>> -> memref<40x128xi32, #tpu.memory_space<vmem>>
    %dma_wait3A_142 = arith.constant 160 : i32
    %dma_wait3A_143 = tpu.memref_slice %arg4[%dma_wait3A_142, %mul3A_2] : memref<200x4096xi32, #tpu.memory_space<hbm>> -> memref<40x128xi32, #tpu.memory_space<hbm>>
    %dma_wait3A_144 = arith.constant 160 : i32
    %dma_wait3A_145 = tpu.memref_slice %arg4[%dma_wait3A_144, %mul3A_2] : memref<200x4096xi32, #tpu.memory_space<hbm>> -> memref<40x128xi32, #tpu.memory_space<hbm>>
    %dma_wait3A_146 = arith.constant 160 : i32
    %dma_wait3A_147 = arith.constant 0 : i32
    %dma_wait3A_148 = tpu.memref_slice %arg8[%dma_wait3A_146, %dma_wait3A_147] : memref<200x128xi32, #tpu.memory_space<vmem>> -> memref<40x128xi32, #tpu.memory_space<vmem>>
    tpu.wait_dma2 semaphore(%arg12 : memref<!tpu.dma_semaphore, #tpu.memory_space<semaphore_mem>>) src(%dma_wait3A_148 : memref<40x128xi32, #tpu.memory_space<vmem>>) dst(%dma_wait3A_145 : memref<40x128xi32, #tpu.memory_space<hbm>>)
    return
  }
}

</mosaic_0001>

<sc_bundles>
// kernel: kernel.3.cloned.1.call-start
scs
__scs_entry_jumppad:
0x0: {  	(pc) =	sbr.rel $0x88, $3  }
0x1: {  	(tag) =	ssettag $0x0;
	lr =	simm.s32 $0x1  }
0x2: {  	[smem:$0x3F9F] =	sst lr;
	_ =	strace $0xD0000000  }
0x3: {  	_ = 	snop  }
0x4: {  	_ = 	snop  }
0x5: {  	_ = 	snop  }
0x6: {  	_ = 	snop  }
0x7: {  	_ = 	snop  }
__scs_overlays_trampoline_lowered:
0x8: {  	[smem:$0x3FAE] =	sst s0  }
0x9: {  	[smem:$0x3FAF] =	sst s1  }
0xa: {  	[smem:$0x3FB0] =	sst s2  }
0xb: {  	[smem:$0x3FB1] =	sst s3  }
0xc: {  	[smem:$0x3FB2] =	sst s4  }
0xd: {  	[smem:$0x3FB3] =	sst s5  }
0xe: {  	[smem:$0x3FB4] =	sst s6  }
0xf: {  	[smem:$0x3FB5] =	sst s7  }
0x10: {  	[smem:$0x3FB6] =	sst s8  }
0x11: {  	[smem:$0x3FB7] =	sst s9;
	s0 =	simm.s32 @!p0 $0x0  }
0x12: {  	s1 =	sld [smem:$0x3F9D];
	s0 =	simm.s32 @p0 $0x1  }
0x13: {  	[smem:$0x3FB8] =	sst s0;
	s0 =	simm.s32 @!p1 $0x0  }
0x14: {  	s2 =	sld [smem:$0x3F9C];
	s0 =	simm.s32 @p1 $0x1  }
0x15: {  	[smem:$0x3FB9] =	sst s0;
	s0 =	simm.s32 @!p2 $0x0  }
0x16: {  	s3 =	sld [smem:$0x3FDB];
	s0 =	simm.s32 @p2 $0x1  }
0x17: {  	s4 =	simm.s32 $0x1BF5;
	[smem:$0x3FBB] =	sst s0  }
0x18: {  	s0 =	sld [smem:$0x3F9E];
	_ =	swait.ge [sflag:s4], $0x0  }
0x19: {  	s7 =	sld [smem:$0x3F9F]  }
0x1a: {  	s8 =	sadd.s32 $0xFFFFE003, lr  }
0x1b: {  	s9 =	sadd.s32 $0xFFFFFEF7, lr;
	s5 =	simm.s32 $0xFFFFFFFF;
	p2 =	slt.u32 s8, $0xFFFFF086  }
0x1c: {  	p1 =	slt.u32 s9, $0xF7A;
	s5 =	simm.s32 @!p2 $0x0  }
0x1d: {  	s5 =	simm.s32 @p1 $0x1;
	p0 =	seq.s32 s7, s2  }
0x1e: {  	s7 =	smul.u32 @!p0 $0xF7A, s2;
	p2 =	seq.s32 @!p0 s5, $0x0  }
0x1f: {  	s9 =	smul.u32 $0xF7A, s1;
	s8 =	simm.s32 @!p0 $0x1BF5;
	p2 =	por !p2, p0  }
0x20: {  	[sflag:s8] =	ssyncset.s32 @!p0 $0xFFFFF086;
	s6 =	sadd.s32 @!p0 s3, s7;
	s7 =	simm.s32 @!p0 $0x108  }
0x21: {  	s3 =	sadd.s32 s3, s9;
	s6 =	sadd.s32 @!p0 $0x88, s6;
	s7 =	simm.s32 @p2 $0x1082  }
0x22: {  	[simem:s7], [sflag:s8] =	dma.local @!p0 [hbm:s6], $0xF7A  }
0x23: {  	s9 =	sor.u32 $0xD0000000, s2;
	s6 =	simm.s32 $0x108;
	_ =	swait.ge @!p0 [sflag:s8], $0x0  }
0x24: {  	s3 =	sadd.s32 $0x88, s3;
	s6 =	simm.s32 @!p1 $0x1082;
	[sflag:s4] =	ssyncset.s32 $0xFFFFF086  }
0x25: {  	[simem:s6], [sflag:s4] =	dma.local [hbm:s3], $0xF7A  }
0x26: {  	[smem:$0x3F9F] =	sst s1;
	(tag) =	ssettag s2;
	_ =	strace s9  }
0x27: {  	s1 =	sld [smem:$0x3FAF]  }
0x28: {  	s2 =	sld [smem:$0x3FB0]  }
0x29: {  	s4 =	sld [smem:$0x3FB2]  }
0x2a: {  	p0 =	seq.s32 s5, $0x0;
	s5 =	sld [smem:$0x3FB3]  }
0x2b: {  	s6 =	sld [smem:$0x3FB4]  }
0x2c: {  	s7 =	sld [smem:$0x3FB5]  }
0x2d: {  	s3 =	simm.s32 $0x108;
	s8 =	sld [smem:$0x3FB6]  }
0x2e: {  	s3 =	simm.s32 @!p0 $0x1082;
	s9 =	sld [smem:$0x3FB7]  }
0x2f: {  	lr =	sadd.s32 s0, s3;
	s0 =	sld [smem:$0x3FAE]  }
0x30: {  	s3 =	sld [smem:$0x3FB1]  }
0x31: {  	[smem:$0x3FBA] =	sst s10  }
0x32: {  	s10 =	sld [smem:$0x3FB8];
	_ =	sdelay $0x3  }
0x33: {  	p0 =	seq.s32 s10, $0x1;
	s10 =	sld [smem:$0x3FBA];
	_ =	sdelay $0x3  }
0x34: {  	[smem:$0x3FBA] =	sst s10  }
0x35: {  	s10 =	sld [smem:$0x3FB9];
	_ =	sdelay $0x3  }
0x36: {  	p1 =	seq.s32 s10, $0x1;
	s10 =	sld [smem:$0x3FBA];
	_ =	sdelay $0x3  }
0x37: {  	[smem:$0x3FBA] =	sst s10  }
0x38: {  	s10 =	sld [smem:$0x3FBB]  }
0x39: {  	_ = 	snop;
	(pc) =	sbr.ind lr, $3  }
0x3a: {  	_ = 	snop  }
0x3b: {  	_ = 	snop  }
0x3c: {  	p2 =	seq.s32 s10, $0x1;
	s10 =	sld [smem:$0x3FBA]  }
0x3d: {  	_ =	shalt  }
0x3e: {  	_ =	shalt  }
0x3f: {  	_ =	shalt  }
0x40: {  	_ =	shalt  }
0x41: {  	_ =	shalt  }
0x42: {  	_ =	shalt  }
0x43: {  	_ =	shalt  }
0x44: {  	_ =	shalt  }
0x45: {  	_ =	shalt  }
0x46: {  	_ =	shalt  }
0x47: {  	_ =	shalt  }
0x48: {  	_ =	shalt  }
0x49: {  	_ =	shalt  }
0x4a: {  	_ =	shalt  }
0x4b: {  	_ =	shalt  }
0x4c: {  	_ =	shalt  }
0x4d: {  	_ =	shalt  }
0x4e: {  	_ =	shalt  }
0x4f: {  	_ =	shalt  }
0x50: {  	_ =	shalt  }
0x51: {  	_ =	shalt  }
0x52: {  	_ =	shalt  }
0x53: {  	_ =	shalt  }
0x54: {  	_ =	shalt  }
0x55: {  	_ =	shalt  }
0x56: {  	_ =	shalt  }
0x57: {  	_ =	shalt  }
0x58: {  	_ =	shalt  }
0x59: {  	_ =	shalt  }
0x5a: {  	_ =	shalt  }
0x5b: {  	_ =	shalt  }
0x5c: {  	_ =	shalt  }
0x5d: {  	_ =	shalt  }
0x5e: {  	_ =	shalt  }
0x5f: {  	_ =	shalt  }
0x60: {  	_ =	shalt  }
0x61: {  	_ =	shalt  }
0x62: {  	_ =	shalt  }
0x63: {  	_ =	shalt  }
0x64: {  	_ =	shalt  }
0x65: {  	_ =	shalt  }
0x66: {  	_ =	shalt  }
0x67: {  	_ =	shalt  }
0x68: {  	_ =	shalt  }
0x69: {  	_ =	shalt  }
0x6a: {  	_ =	shalt  }
0x6b: {  	_ =	shalt  }
0x6c: {  	_ =	shalt  }
0x6d: {  	_ =	shalt  }
0x6e: {  	_ =	shalt  }
0x6f: {  	_ =	shalt  }
0x70: {  	_ =	shalt  }
0x71: {  	_ =	shalt  }
0x72: {  	_ =	shalt  }
0x73: {  	_ =	shalt  }
0x74: {  	_ =	shalt  }
0x75: {  	_ =	shalt  }
0x76: {  	_ =	shalt  }
0x77: {  	_ =	shalt  }
0x78: {  	_ =	shalt  }
0x79: {  	_ =	shalt  }
0x7a: {  	_ =	shalt  }
0x7b: {  	_ =	shalt  }
0x7c: {  	_ =	shalt  }
0x7d: {  	_ =	shalt  }
0x7e: {  	_ =	shalt  }
0x7f: {  	_ =	shalt  }
0x80: {  	_ =	shalt  }
0x81: {  	_ =	shalt  }
0x82: {  	_ =	shalt  }
0x83: {  	_ =	shalt  }
0x84: {  	_ =	shalt  }
0x85: {  	_ =	shalt  }
0x86: {  	_ =	shalt  }
0x87: {  	_ =	shalt  }
.Lfunc_end0:
.L_simem_size_0:
called_computation_lowered:
.L_overlay_start_0:
0x88: {  	s2 =	sld [smem:$0x3FD9]  }
0x89: {  	s3 =	sld [smem:$0x3FFE];
	_ =	sdelay $0x1  }
0x8a: {  	s1 =	srdreg.scid  }
0x8b: {  	s0 =	sand.u32 $0x1, s1  }
0x8c: {  	s17 =	sshll.u32 s0, $0xA;
	s2 =	sadd.s32 s3, s2  }
0x8d: {  	s2 =	sadd.s32 s2, s17  }
0x8e: {  	[smem:$0x3FC6] =	sst s2  }
0x8f: {  	_ = 	snop  }
0x90: {  	s2 =	sld [smem:$0x3FC9]  }
0x91: {  	s18 =	sld [smem:$0x3FD0];
	(tm) =	ssettm $0x1  }
0x92: {  	s4 =	sld [smem:$0x3FFB];
	_ =	sdelay $0x3  }
0x93: {  	_ =	strace s4  }
0x94: {  	s4 =	sld [smem:$0x3FFC];
	_ =	sdelay $0x3  }
0x95: {  	_ =	strace s4  }
0x96: {  	s4 =	sld [smem:$0x3FFD];
	_ =	sdelay $0x3  }
0x97: {  	_ =	strace s4  }
0x98: {  	_ =	strace $0x8FFFFFFF  }
0x99: {  	s19 =	sld [smem:$0x3FDB];
	_ =	sdelay $0x1  }
0x9a: {  	s5 =	simm.s32 $_scs_section_size  }
0x9b: {  	s6 =	simm.s32 $_size__tile_overlayer_lowered;
	s7 =	simm.s32 $_tile_overlayer_lowered  }
0x9c: {  	s22 =	simm.s32 $0x1BFF;
	s21 =	sshll.u32 s7, $0x1;
	s4 =	sadd.s32 s5, s19  }
0x9d: {  	s8 =	simm.s32 $0x0;
	s20 =	sshll.u32 s6, $0x1;
	s6 =	sadd.s32 s21, s4  }
0x9e: {  	[timem:s8], [sflag:s22] =	dma.local [hbm:s6], s20  }
0x9f: {  	_ =	swait.ge [sflag:s22], s20  }
0xa0: {  	s5 =	ssub.s32 $0x0, s20;
	[sflag:s22] =	ssyncset.done $0x0  }
0xa1: {  	[sflag:s22] =	ssyncadd.s32 s5;
	_ =	sdelay $0x1  }
0xa2: {  	s23 =	simm.s32 $0x1B8B  }
0xa3: {  	_ =	swait.ge [sflag:s23], $0x1  }
0xa4: {  	[sflag:s23] =	ssyncset.done $0x0  }
0xa5: {  	s25 =	simm.s32 $0x1B8E;
	s24 =	sld [smem:$0x3FFE];
	[sflag:s23] =	ssyncadd.s32 $0xFFFFFFFF  }
0xa6: {  	s26 =	simm.s32 $execute0_lowered;
	[smem:$0x3FD2] =	sst s25  }
0xa7: {  	s6 =	sshll.u32 s26, $0x1;
	_ =	strace $0x80000046;
	[dreg:$0x1] =	wrdreg $0xFFFFFFFF  }
0xa8: {  	s28 =	simm.s32 $_size_execute0_lowered;
	s4 =	sadd.s32 s4, s6;
	[dreg:$0x0] =	wrdreg $0x0  }
0xa9: {  	s6 =	sshll.u32 s28, $0x1;
	[dreg:$0x2] =	wrdreg s4  }
0xaa: {  	[dreg:$0x3] =	wrdreg s6  }
0xab: {  	[dreg:$0x4] =	wrdreg $0xC0  }
0xac: {  	_ =	task [dreg:s8], $0x5FFFF  }
0xad: {  	[dreg:$0x1] =	wrdreg $0xFFFFFFFF  }
0xae: {  	[dreg:$0x0] =	wrdreg $0x60  }
0xaf: {  	[dreg:$0x2] =	wrdreg s24  }
0xb0: {  	[dreg:$0x3] =	wrdreg s2  }
0xb1: {  	[dreg:$0x4] =	wrdreg s18  }
0xb2: {  	[dreg:$0x5] =	wrdreg $0xD8000  }
0xb3: {  	[dreg:$0x6] =	wrdreg $0x9  }
0xb4: {  	_ =	task.clear_ibuf [dreg:s8], $0x7FFFF;
	_ =	strace $0x90000046  }
0xb5: {  	s29 =	simm.s32 $0x9;
	_ =	strace $0x80000048  }
0xb6: {  	_ =	swait.ge [sflag:s29], $0x1  }
0xb7: {  	[sflag:s29] =	ssyncadd.s32 $0xFFFFFFFF  }
0xb8: {  	_ =	strace $0x90000048  }
0xb9: {  	_ =	sfence  }
0xba: {  	s30 =	sld [smem:$0x0];
	_ =	sdelay $0x2  }
0xbb: {  	s31 =	sshll.u32 s1, $0xD;
	s1 =	sshrl.u32 s1, $0x2  }
0xbc: {  	s3 =	sand.u32 $0x4000, s31;
	s1 =	sadd.s32 s1, s30  }
0xbd: {  	s0 =	sor.u32 s3, s0;
	s1 =	sshll.u32 s1, $0x11  }
0xbe: {  	s0 =	sor.u32 s1, s0  }
0xbf: {  	s0 =	sadd.s32 $0x8F2B, s0  }
0xc0: {  	[sflag:s0] =	ssyncadd.remote.s32 $0x1  }
0xc1: {  	_ =	sfence.sel $0xFFFF  }
0xc2: {  	[dreg:$0x0] =	wrdreg $0xFFFFFFFF;
	(pc) =	sbr.abs _section_cstart, $3  }
0xc3: {  	[dreg:$0x1] =	wrdreg $0xFFFFFFFF  }
0xc4: {  	_ =	task.clear_ibuf [dreg:s8], $0x2FFFF;
	_ =	strace $0x9FFFFFFF  }
0xc5: {  	(tm) =	ssettm $0x7FFFFFFF  }
tec
execute0_lowered:
.L_overlay_start_1:
0x0: {  	(tag) =	ssettag $0x1  }
0x1: {  	s0 =	rddreg [dreg:$0x0]  }
0x2: {  	s1 =	rddreg [dreg:$0x1]  }
0x3: {  	s2 =	rddreg [dreg:$0x2]  }
0x4: {  	s12 =	rddreg [dreg:$0x3];
	s3 =	simm.s32 $0x0;
	s11 =	stileid.u32  }
0x5: {  	s4 =	srdreg.scid;
	s14 =	simm.s32 $0x400;
	s15 =	simm.s32 $0x8000  }
0x6: {  	s17 =	simm.s32 $0x2000;
	s18 =	simm.s32 $0x800;
	s19 =	simm.s32 $0x2  }
0x7: {  	s20 =	simm.s32 $0x4;
	s21 =	simm.s32 $0xC00;
	s22 =	simm.s32 $0x1  }
0x8: {  	s23 =	simm.s32 $0x7400;
	s24 =	simm.s32 $0x9000;
	s25 =	simm.s32 $0xAC00  }
0x9: {  	s28 =	simm.s32 $0x3;
	s29 =	simm.s32 $0x0;
	s4 =	sand.u32 $0x1, s4  }
0xa: {  	s9 =	sshll.u32 s11, $0x8;
	s6 =	ssub.s32 $0x2, s4;
	s4 =	sshll.u32 s4, $0x7  }
0xb: {  	[smem:$0x7FF] =	sst s3;
	s31 =	sand.u32 $0x1, s11;
	s10 =	sor.u32 s4, s9  }
0xc: {  	s8 =	sshll.u32 s11, $0x6;
	s4 =	sadd.s32 s1, s10;
	s1 =	sshll.u32 s31, $0x6  }
0xd: {  	_ =	strace $0x80000047;
	s5 =	sand.u32 $0x380, s8;
	s1 =	sor.u32 $0x500, s1  }
0xe: {  	s26 =	sshrl.u32 s9, $0x2;
	s7 =	sshrl.u32 s6, $0x1;
	s0 =	sadd.s32 s5, s0;
	v0 =	vmov s1  }
0xf: {  	s30 =	sor.u32 $0xC00, s26;
	s26 =	simm.s32 $0xC400;
	s13 =	ssub.s32 s6, s7  }
0x10: {  	s5 =	sadd.s32 $0x400, s0;
	s6 =	sadd.s32 $0xC00, s0;
	s9 =	sadd.s32 s2, s10  }
0x11: {  	s7 =	sadd.s32 s8, s12;
	s8 =	sor.u32 $0xC00, s8;
	s10 =	sadd.s32 $0x7000, s9  }
0x12: {  	v2 =	vimm.s32 $0x0;
	v1 =	vmov s30;
	s11 =	sadd.s32 $0xE000, s9;
	s12 =	sadd.s32 $0x14000, s9;
	s13 =	smax.u32 s13, $0x1  }
.LBB2_1:
0x13: {  	s0 =	simm.s32 $0x1000  }
0x14: {  	[tilespmem:s0], [sflag:$0x1] =	stream.strided.gather [hbm4b:s4+s14], $0x6400, s15, s14, $0x38;
	[tilespmem:$0xD840] =	vst v63  }
0x15: {  	_ = 	snop  }
0x16: {  	[tilespmem:s3], [sflag:$0x2] =	stream.strided.gather [hbm4b:s5+s14], $0x800, s17, s14, $0x38;
	[tilespmem:$0xD840] =	vst v63  }
0x17: {  	_ = 	snop  }
0x18: {  	[tilespmem:s18], [sflag:$0x2] =	stream.linear.gather [hbm4b:s6+s3], $0x200, $0x38;
	[tilespmem:$0xD840] =	vst v63  }
0x19: {  	_ =	swait.ge [sflag:s19], $0xA00  }
0x1a: {  	[sflag:s19] =	ssyncset.done $0x0  }
0x1b: {  	s30 =	simm.s32 $0x0;
	[sflag:s19] =	ssyncadd.s32 $0xFFFFF600  }
0x1c: {  	v3 =	vld.idx.msk [tilespmem:v0+s30+$0xFFFFFB00 ss:$0x1], $0xffff  }
0x1d: {  	v4 =	vld.idx.msk [tilespmem:v0+s30+$0xFFFFFB80 ss:$0x1], $0xffff;
	_ =	sdelay $0x1  }
0x1e: {  	v5 =	vld.idx.msk [tilespmem:v0+s30+$0xFFFFFC00 ss:$0x1], $0xffff;
	_ =	sdelay $0x1  }
0x1f: {  	v6 =	vld.idx.msk [tilespmem:v0+s30+$0xFFFFFC80 ss:$0x1], $0xffff  }
0x20: {  	vm0 =	vgt.f32 v4, v3  }
0x21: {  	v7 =	vld.idx.msk [tilespmem:v0+s30+$0xFFFFFD00 ss:$0x1], $0xffff;
	v3 =	vsel vm0, v4, v3  }
0x22: {  	vm1 =	vgt.f32 v5, v3  }
0x23: {  	v4 =	vld.idx.msk [tilespmem:v0+s30+$0xFFFFFD80 ss:$0x1], $0xffff;
	v3 =	vsel vm1, v5, v3  }
0x24: {  	vm2 =	vgt.f32 v6, v3  }
0x25: {  	v5 =	vld.idx.msk [tilespmem:v0+s30+$0xFFFFFE00 ss:$0x1], $0xffff;
	v3 =	vsel vm2, v6, v3  }
0x26: {  	vm3 =	vgt.f32 v7, v3  }
0x27: {  	v8 =	vld.idx.msk [tilespmem:v0+s30+$0xFFFFFE80 ss:$0x1], $0xffff;
	v3 =	vsel vm3, v7, v3  }
0x28: {  	vm4 =	vgt.f32 v4, v3  }
0x29: {  	v7 =	vld.idx.msk [tilespmem:v0+s30+$0xFFFFFF00 ss:$0x1], $0xffff;
	v3 =	vsel vm4, v4, v3  }
0x2a: {  	vm5 =	vgt.f32 v5, v3  }
0x2b: {  	v6 =	vld.idx.msk [tilespmem:v0+s30+$0xFFFFFF80 ss:$0x1], $0xffff;
	v3 =	vsel vm5, v5, v3  }
0x2c: {  	vm6 =	vgt.f32 v8, v3  }
0x2d: {  	v5 =	vld.idx.msk [tilespmem:v0+s30+$0x0 ss:$0x1], $0xffff;
	v3 =	vsel vm6, v8, v3  }
0x2e: {  	v4 =	vld.idx.msk [tilespmem:v0+s30+$0x80 ss:$0x1], $0xffff;
	vm7 =	vgt.f32 v7, v3  }
0x2f: {  	s31 =	simm.s32 $0x10;
	v8 =	vsel vm7, v7, v3;
	v3 =	vld.idx.msk [tilespmem:v0+s30+$0x100 ss:$0x1], $0xffff  }
0x30: {  	s0 =	simm.s32 $0x80;
	v7 =	vld.idx.msk [tilespmem:v0+s31+$0xFFFFFB00 ss:$0x1], $0xffff;
	vm8 =	vgt.f32 v6, v8  }
.LBB2_2:
0x31: {  	p0 =	sne.s32 s0, $0xC0;
	v9 =	vld.idx.msk [tilespmem:v0+s31+$0xFFFFFB80 ss:$0x1], $0xffff;
	v6 =	vsel vm8, v6, v8  }
0x32: {  	vm9 =	vgt.f32 v5, v6;
	v8 =	vld.idx.msk [tilespmem:v0+s30+$0x180 ss:$0x1], $0xffff  }
0x33: {  	v11 =	vsel vm0, $0x1, v2;
	v10 =	vld.idx.msk [tilespmem:v0+s31+$0xFFFFFC00 ss:$0x1], $0xffff;
	v5 =	vsel vm9, v5, v6  }
0x34: {  	v6 =	vsel vm1, $0x2, v11;
	vm10 =	vgt.f32 v4, v5;
	v11 =	vld.idx.msk [tilespmem:v0+s30+$0x200 ss:$0x1], $0xffff  }
0x35: {  	v6 =	vsel vm2, $0x3, v6;
	v12 =	vld.idx.msk [tilespmem:v0+s31+$0xFFFFFC80 ss:$0x1], $0xffff;
	v4 =	vsel vm10, v4, v5  }
0x36: {  	v5 =	vsel vm3, $0x4, v6;
	vm11 =	vgt.f32 v3, v4;
	v6 =	vld.idx.msk [tilespmem:v0+s30+$0x280 ss:$0x1], $0xffff  }
0x37: {  	vm0 =	vgt.f32 v9, v7;
	v5 =	vsel vm4, $0x5, v5;
	v13 =	vld.idx.msk [tilespmem:v0+s31+$0xFFFFFD00 ss:$0x1], $0xffff;
	v3 =	vsel vm11, v3, v4  }
0x38: {  	v4 =	vsel vm0, v9, v7;
	v5 =	vsel vm5, $0x6, v5;
	vm5 =	vgt.f32 v8, v3;
	v7 =	vld.idx.msk [tilespmem:v0+s30+$0x300 ss:$0x1], $0xffff  }
0x39: {  	vm1 =	vgt.f32 v10, v4;
	v5 =	vsel vm6, $0x7, v5;
	v9 =	vld.idx.msk [tilespmem:v0+s31+$0xFFFFFD80 ss:$0x1], $0xffff;
	v3 =	vsel vm5, v8, v3  }
0x3a: {  	v4 =	vsel vm1, v10, v4;
	v5 =	vsel vm7, $0x8, v5;
	vm6 =	vgt.f32 v11, v3;
	v8 =	vld.idx.msk [tilespmem:v0+s30+$0x380 ss:$0x1], $0xffff  }
0x3b: {  	vm2 =	vgt.f32 v12, v4;
	v5 =	vsel vm8, $0x9, v5;
	v10 =	vld.idx.msk [tilespmem:v0+s31+$0xFFFFFE00 ss:$0x1], $0xffff;
	v3 =	vsel vm6, v11, v3  }
0x3c: {  	v4 =	vsel vm2, v12, v4;
	v5 =	vsel vm9, $0xA, v5;
	vm7 =	vgt.f32 v6, v3;
	v11 =	vld.idx.msk [tilespmem:v0+s30+$0x400 ss:$0x1], $0xffff  }
0x3d: {  	vm3 =	vgt.f32 v13, v4;
	v5 =	vsel vm10, $0xB, v5;
	v12 =	vld.idx.msk [tilespmem:v0+s31+$0xFFFFFE80 ss:$0x1], $0xffff;
	v3 =	vsel vm7, v6, v3  }
0x3e: {  	v4 =	vsel vm3, v13, v4;
	v5 =	vsel vm11, $0xC, v5;
	vm8 =	vgt.f32 v7, v3;
	v13 =	vld.idx.msk [tilespmem:v0+s30+$0x480 ss:$0x1], $0xffff  }
0x3f: {  	vm4 =	vgt.f32 v9, v4;
	v5 =	vsel vm5, $0xD, v5;
	v14 =	vld.idx.msk [tilespmem:v0+s31+$0xFFFFFF00 ss:$0x1], $0xffff;
	v3 =	vsel vm8, v7, v3  }
0x40: {  	v4 =	vsel vm4, v9, v4;
	v5 =	vsel vm6, $0xE, v5;
	vm9 =	vgt.f32 v8, v3  }
0x41: {  	vm5 =	vgt.f32 v10, v4;
	v5 =	vsel vm7, $0xF, v5;
	v6 =	vld.idx.msk [tilespmem:v0+s31+$0xFFFFFF80 ss:$0x1], $0xffff;
	v3 =	vsel vm9, v8, v3  }
0x42: {  	v4 =	vsel vm5, v10, v4;
	v7 =	vsel vm8, $0x10, v5;
	vm7 =	vgt.f32 v11, v3  }
.Ltmp0:
0x43: {  	vm6 =	vgt.f32 v12, v4;
	v7 =	vsel vm9, $0x11, v7;
	v5 =	vld.idx.msk [tilespmem:v0+s31+$0x0 ss:$0x1], $0xffff;
	v3 =	vsel vm7, v11, v3;
	(pc) =	sbr.rel @p0 .LBB2_2-.Ltmp0, $4  }
0x44: {  	v8 =	vsel vm6, v12, v4;
	v7 =	vsel vm7, $0x12, v7;
	vm8 =	vgt.f32 v13, v3  }
0x45: {  	vm7 =	vgt.f32 v14, v8;
	v4 =	vld.idx.msk [tilespmem:v0+s31+$0x80 ss:$0x1], $0xffff;
	v7 =	vsel vm8, $0x13, v7  }
0x46: {  	v8 =	vsel vm7, v14, v8;
	v3 =	vld.idx.msk [tilespmem:v0+s31+$0x100 ss:$0x1], $0xffff;
	[tilespmem:v1+s30+$0x0 ss:$0x1] =	vst.idx.msk $0xffff, v7;
	s30 =	smov.u32 s31;
	s31 =	sshra.s32 s0, $0x2  }
0x47: {  	s0 =	sadd.s32 $0x40, s0;
	vm8 =	vgt.f32 v6, v8;
	v7 =	vld.idx.msk [tilespmem:v0+s31+$0xFFFFFB00 ss:$0x1], $0xffff  }
0x48: {  	_ =	sdelay $0x3  }
0x49: {  	v9 =	vld.idx.msk [tilespmem:v0+s31+$0xFFFFFB80 ss:$0x1], $0xffff;
	_ =	sdelay $0x1  }
0x4a: {  	v10 =	vld.idx.msk [tilespmem:v0+s31+$0xFFFFFC00 ss:$0x1], $0xffff;
	_ =	sdelay $0x1  }
0x4b: {  	v11 =	vld.idx.msk [tilespmem:v0+s31+$0xFFFFFC80 ss:$0x1], $0xffff  }
0x4c: {  	vm11 =	vgt.f32 v9, v7  }
0x4d: {  	v12 =	vld.idx.msk [tilespmem:v0+s31+$0xFFFFFD00 ss:$0x1], $0xffff;
	v7 =	vsel vm11, v9, v7  }
0x4e: {  	vm12 =	vgt.f32 v10, v7  }
0x4f: {  	v9 =	vld.idx.msk [tilespmem:v0+s31+$0xFFFFFD80 ss:$0x1], $0xffff;
	v7 =	vsel vm12, v10, v7  }
0x50: {  	vm10 =	vgt.f32 v11, v7  }
0x51: {  	v10 =	vld.idx.msk [tilespmem:v0+s31+$0xFFFFFE00 ss:$0x1], $0xffff;
	v7 =	vsel vm10, v11, v7  }
0x52: {  	vm9 =	vgt.f32 v12, v7  }
0x53: {  	v61 =	vld.idx.msk [tilespmem:v0+s31+$0xFFFFFE80 ss:$0x1], $0xffff;
	v7 =	vsel vm9, v12, v7  }
0x54: {  	v11 =	vsel vm0, $0x1, v2;
	vm0 =	vgt.f32 v9, v7  }
0x55: {  	v6 =	vsel vm8, v6, v8;
	v11 =	vsel vm1, $0x2, v11;
	v7 =	vsel vm0, v9, v7;
	v9 =	vld.idx.msk [tilespmem:v0+s31+$0xFFFFFF00 ss:$0x1], $0xffff  }
0x56: {  	vm14 =	vgt.f32 v5, v6;
	v11 =	vsel vm2, $0x3, v11;
	vm1 =	vgt.f32 v10, v7  }
0x57: {  	v5 =	vsel vm14, v5, v6;
	v8 =	vsel vm3, $0x4, v11;
	v7 =	vsel vm1, v10, v7;
	v10 =	vld.idx.msk [tilespmem:v0+s31+$0xFFFFFF80 ss:$0x1], $0xffff  }
0x58: {  	v6 =	vld.idx.msk [tilespmem:v0+s30+$0x180 ss:$0x1], $0xffff;
	vm15 =	vgt.f32 v4, v5;
	v8 =	vsel vm4, $0x5, v8;
	vm2 =	vgt.f32 v61, v7  }
0x59: {  	v4 =	vsel vm15, v4, v5;
	v11 =	vld.idx.msk [tilespmem:v0+s31+$0x0 ss:$0x1], $0xffff;
	v8 =	vsel vm5, $0x6, v8;
	v7 =	vsel vm2, v61, v7  }
0x5a: {  	v5 =	vld.idx.msk [tilespmem:v0+s30+$0x200 ss:$0x1], $0xffff;
	vm13 =	vgt.f32 v3, v4;
	v8 =	vsel vm6, $0x7, v8;
	vm3 =	vgt.f32 v9, v7  }
0x5b: {  	v3 =	vsel vm13, v3, v4;
	v8 =	vsel vm7, $0x8, v8;
	v7 =	vsel vm3, v9, v7;
	v9 =	vld.idx.msk [tilespmem:v0+s31+$0x80 ss:$0x1], $0xffff  }
0x5c: {  	v4 =	vld.idx.msk [tilespmem:v0+s30+$0x280 ss:$0x1], $0xffff;
	v13 =	vsel vm11, $0x1, v2;
	v8 =	vsel vm8, $0x9, v8;
	vm4 =	vgt.f32 v10, v7  }
0x5d: {  	v8 =	vsel vm14, $0xA, v8;
	vm14 =	vgt.f32 v6, v3;
	v7 =	vsel vm4, v10, v7;
	v10 =	vld.idx.msk [tilespmem:v0+s31+$0x100 ss:$0x1], $0xffff  }
0x5e: {  	v62 =	vld.idx.msk [tilespmem:v0+s31+$0x180 ss:$0x1], $0xffff;
	v8 =	vsel vm15, $0xB, v8;
	v3 =	vsel vm14, v6, v3;
	vm5 =	vgt.f32 v11, v7  }
0x5f: {  	v6 =	vld.idx.msk [tilespmem:v0+s30+$0x300 ss:$0x1], $0xffff;
	v8 =	vsel vm13, $0xC, v8;
	vm15 =	vgt.f32 v5, v3;
	v7 =	vsel vm5, v11, v7  }
0x60: {  	v8 =	vsel vm14, $0xD, v8;
	v11 =	vsel vm12, $0x2, v13;
	vm6 =	vgt.f32 v9, v7  }
0x61: {  	v3 =	vsel vm15, v5, v3;
	v5 =	vld.idx.msk [tilespmem:v0+s31+$0x200 ss:$0x1], $0xffff;
	v11 =	vsel vm10, $0x3, v11;
	v7 =	vsel vm6, v9, v7  }
0x62: {  	vm8 =	vgt.f32 v4, v3;
	v9 =	vld.idx.msk [tilespmem:v0+s30+$0x380 ss:$0x1], $0xffff;
	v11 =	vsel vm9, $0x4, v11;
	vm9 =	vgt.f32 v10, v7  }
0x63: {  	v3 =	vsel vm8, v4, v3;
	v4 =	vld.idx.msk [tilespmem:v0+s31+$0x280 ss:$0x1], $0xffff;
	v11 =	vsel vm0, $0x5, v11;
	v7 =	vsel vm9, v10, v7  }
0x64: {  	vm12 =	vgt.f32 v6, v3;
	v10 =	vsel vm1, $0x6, v11;
	vm13 =	vgt.f32 v62, v7  }
0x65: {  	v3 =	vsel vm12, v6, v3;
	v6 =	vld.idx.msk [tilespmem:v0+s31+$0x300 ss:$0x1], $0xffff;
	v10 =	vsel vm2, $0x7, v10;
	v7 =	vsel vm13, v62, v7  }
0x66: {  	v8 =	vsel vm15, $0xE, v8;
	v11 =	vld.idx.msk [tilespmem:v0+s30+$0x400 ss:$0x1], $0xffff;
	v10 =	vsel vm3, $0x8, v10;
	vm14 =	vgt.f32 v5, v7  }
0x67: {  	v63 =	vld.idx.msk [tilespmem:v0+s31+$0x380 ss:$0x1], $0xffff;
	vm15 =	vgt.f32 v9, v3;
	v10 =	vsel vm4, $0x9, v10;
	v5 =	vsel vm14, v5, v7  }
0x68: {  	v7 =	vsel vm8, $0xF, v8;
	v8 =	vsel vm5, $0xA, v10;
	vm8 =	vgt.f32 v4, v5  }
0x69: {  	v3 =	vsel vm15, v9, v3;
	v9 =	vld.idx.msk [tilespmem:v0+s31+$0x400 ss:$0x1], $0xffff;
	v8 =	vsel vm6, $0xB, v8;
	v4 =	vsel vm8, v4, v5  }
0x6a: {  	v7 =	vsel vm12, $0x10, v7;
	v5 =	vld.idx.msk [tilespmem:v0+s30+$0x480 ss:$0x1], $0xffff;
	v8 =	vsel vm9, $0xC, v8;
	vm10 =	vgt.f32 v6, v4  }
0x6b: {  	v10 =	vld.idx.msk [tilespmem:v0+s31+$0x480 ss:$0x1], $0xffff;
	vm11 =	vgt.f32 v11, v3;
	v8 =	vsel vm13, $0xD, v8;
	v4 =	vsel vm10, v6, v4  }
0x6c: {  	v6 =	vsel vm15, $0x11, v7;
	v7 =	vsel vm14, $0xE, v8;
	vm12 =	vgt.f32 v63, v4  }
0x6d: {  	v3 =	vsel vm11, v11, v3;
	v7 =	vsel vm8, $0xF, v7;
	v4 =	vsel vm12, v63, v4  }
0x6e: {  	v6 =	vsel vm11, $0x12, v6;
	v7 =	vsel vm10, $0x10, v7;
	vm13 =	vgt.f32 v9, v4  }
0x6f: {  	vm14 =	vgt.f32 v5, v3;
	v3 =	vsel vm12, $0x11, v7;
	v4 =	vsel vm13, v9, v4  }
0x70: {  	v5 =	vsel vm14, $0x13, v6;
	v3 =	vsel vm13, $0x12, v3;
	vm15 =	vgt.f32 v10, v4  }
0x71: {  	[tilespmem:v1+s30+$0x0 ss:$0x1] =	vst.idx.msk $0xffff, v5;
	v3 =	vsel vm15, $0x13, v3  }
0x72: {  	[tilespmem:v1+s31+$0x0 ss:$0x1] =	vst.idx.msk $0xffff, v3  }
0x73: {  	[spmem:s7] =	stream.linear.scatter [tilespmem:s8], [sflag:$0x4], $0x40, $0x38;
	[tilespmem:$0xD840] =	vst v63  }
0x74: {  	_ =	swait.ge [sflag:s20], $0x40  }
0x75: {  	[sflag:s20] =	ssyncset.done $0x0  }
0x76: {  	[sflag:s20] =	ssyncadd.s32 $0xFFFFFFC0  }
0x77: {  	[bflag:$0x0] =	sbarrier.arrive $0xFFFF  }
0x78: {  	s0 =	rddreg [dreg:$0x3]  }
0x79: {  	[tilespmem:s21], [sflag:$0x4] =	stream.linear.gather [spmem:s0], $0x400, $0x38;
	[tilespmem:$0xD840] =	vst v63  }
0x7a: {  	_ =	swait.ge [sflag:s20], $0x400  }
0x7b: {  	[sflag:s20] =	ssyncset.done $0x0  }
0x7c: {  	[sflag:s20] =	ssyncadd.s32 $0xFFFFFC00  }
0x7d: {  	_ =	swait.ge [sflag:s22], $0x6400  }
0x7e: {  	[sflag:s22] =	ssyncset.done $0x0  }
0x7f: {  	s30 =	simm.s32 $0x0;
	[sflag:s22] =	ssyncadd.s32 $0xFFFF9C00  }
0x80: {  	v3 =	vld [tilespmem:s30+$0x1000];
	_ =	sdelay $0x6  }
0x81: {  	v4 =	vld [tilespmem:s30+$0x1010]  }
0x82: {  	v3 =	vld.idx.msk [tilespmem:v3+s21+$0x0], $0xffff;
	_ =	sdelay $0x1  }
0x83: {  	s31 =	simm.s32 $0x80  }
0x84: {  	v5 =	vld [tilespmem:s31+$0x1000];
	_ =	sdelay $0x1  }
0x85: {  	[tilespmem:s30+$0x7400] =	vst v3;
	v3 =	vld [tilespmem:s30+$0x1020];
	_ =	sdelay $0x1  }
0x86: {  	v4 =	vld.idx.msk [tilespmem:v4+s21+$0x0], $0xffff;
	_ =	sdelay $0x2  }
0x87: {  	v6 =	vld [tilespmem:s31+$0x1010]  }
0x88: {  	v5 =	vld.idx.msk [tilespmem:v5+s21+$0x0], $0xffff  }
0x89: {  	[tilespmem:s30+$0x7410] =	vst v4;
	v4 =	vld [tilespmem:s30+$0x1030]  }
0x8a: {  	v3 =	vld.idx.msk [tilespmem:v3+s21+$0x0], $0xffff;
	_ =	sdelay $0x3  }
0x8b: {  	[tilespmem:s31+$0x7400] =	vst v5;
	v5 =	vld [tilespmem:s31+$0x1020]  }
0x8c: {  	[tilespmem:s30+$0x7420] =	vst v3;
	v3 =	vld [tilespmem:s30+$0x1040]  }
0x8d: {  	v6 =	vld.idx.msk [tilespmem:v6+s21+$0x0], $0xffff  }
0x8e: {  	s0 =	simm.s32 $0x100;
	v4 =	vld.idx.msk [tilespmem:v4+s21+$0x0], $0xffff  }
0x8f: {  	v7 =	vld [tilespmem:s0+$0x1000];
	_ =	sdelay $0x2  }
0x90: {  	[tilespmem:s31+$0x7410] =	vst v6;
	v6 =	vld [tilespmem:s31+$0x1030]  }
0x91: {  	[tilespmem:s30+$0x7430] =	vst v4;
	v4 =	vld [tilespmem:s30+$0x1050]  }
0x92: {  	v3 =	vld.idx.msk [tilespmem:v3+s21+$0x0], $0xffff  }
0x93: {  	v5 =	vld.idx.msk [tilespmem:v5+s21+$0x0], $0xffff  }
0x94: {  	v8 =	vld [tilespmem:s0+$0x1010]  }
0x95: {  	v7 =	vld.idx.msk [tilespmem:v7+s21+$0x0], $0xffff;
	_ =	sdelay $0x1  }
0x96: {  	[tilespmem:s30+$0x7440] =	vst v3;
	v3 =	vld [tilespmem:s30+$0x1060]  }
0x97: {  	[tilespmem:s31+$0x7420] =	vst v5;
	v5 =	vld [tilespmem:s31+$0x1040]  }
0x98: {  	v4 =	vld.idx.msk [tilespmem:v4+s21+$0x0], $0xffff  }
0x99: {  	[tilespmem:s0+$0x7400] =	vst v7;
	v7 =	vld [tilespmem:s0+$0x1020]  }
0x9a: {  	v6 =	vld.idx.msk [tilespmem:v6+s21+$0x0], $0xffff  }
0x9b: {  	s1 =	simm.s32 $0x180;
	s2 =	simm.s32 $0x800;
	v8 =	vld.idx.msk [tilespmem:v8+s21+$0x0], $0xffff  }
.LBB2_4:
0x9c: {  	p0 =	sne.s32 s2, $0x6E00;
	v9 =	vld [tilespmem:s1+$0x1000];
	s16 =	smov.u32 s31;
	s31 =	smov.u32 s0  }
0x9d: {  	s0 =	smov.u32 s1;
	[tilespmem:s30+$0x7450] =	vst v4;
	v4 =	vld [tilespmem:s30+$0x1070]  }
0x9e: {  	v3 =	vld.idx.msk [tilespmem:v3+s21+$0x0], $0xffff  }
0x9f: {  	[tilespmem:s16+$0x7430] =	vst v6;
	v6 =	vld [tilespmem:s16+$0x1050]  }
0xa0: {  	v5 =	vld.idx.msk [tilespmem:v5+s21+$0x0], $0xffff  }
0xa1: {  	[tilespmem:s31+$0x7410] =	vst v8;
	v8 =	vld [tilespmem:s31+$0x1030]  }
0xa2: {  	v7 =	vld.idx.msk [tilespmem:v7+s21+$0x0], $0xffff  }
0xa3: {  	v10 =	vld [tilespmem:s0+$0x1010]  }
0xa4: {  	v9 =	vld.idx.msk [tilespmem:v9+s21+$0x0], $0xffff;
	[tilespmem:s30+$0x7460] =	vst v3  }
0xa5: {  	v11 =	vld.idx.msk [tilespmem:v4+s21+$0x0], $0xffff  }
0xa6: {  	[tilespmem:s16+$0x7440] =	vst v5;
	v3 =	vld [tilespmem:s16+$0x1060]  }
.Ltmp1:
0xa7: {  	v4 =	vld.idx.msk [tilespmem:v6+s21+$0x0], $0xffff;
	(pc) =	sbr.rel @p0 .LBB2_4-.Ltmp1, $4  }
0xa8: {  	[tilespmem:s31+$0x7420] =	vst v7;
	v5 =	vld [tilespmem:s31+$0x1040]  }
0xa9: {  	v6 =	vld.idx.msk [tilespmem:v8+s21+$0x0], $0xffff  }
0xaa: {  	[tilespmem:s0+$0x7400] =	vst v9;
	v7 =	vld [tilespmem:s0+$0x1020]  }
0xab: {  	s1 =	sshra.s32 s2, $0x2;
	s2 =	sadd.s32 $0x200, s2;
	v8 =	vld.idx.msk [tilespmem:v10+s21+$0x0], $0xffff;
	[tilespmem:s30+$0x7470] =	vst v11;
	s30 =	smov.u32 s16  }
0xac: {  	v9 =	vld [tilespmem:s1+$0x1000];
	_ =	sdelay $0x5  }
0xad: {  	v10 =	vld [tilespmem:s1+$0x1010];
	_ =	sdelay $0x1  }
0xae: {  	v9 =	vld.idx.msk [tilespmem:v9+s21+$0x0], $0xffff;
	_ =	sdelay $0x4  }
0xaf: {  	[tilespmem:s1+$0x7400] =	vst v9;
	v9 =	vld [tilespmem:s1+$0x1020]  }
0xb0: {  	v10 =	vld.idx.msk [tilespmem:v10+s21+$0x0], $0xffff;
	_ =	sdelay $0x1  }
0xb1: {  	[tilespmem:s0+$0x7410] =	vst v8;
	v8 =	vld [tilespmem:s0+$0x1030]  }
0xb2: {  	v7 =	vld.idx.msk [tilespmem:v7+s21+$0x0], $0xffff;
	_ =	sdelay $0x1  }
0xb3: {  	[tilespmem:s1+$0x7410] =	vst v10;
	v10 =	vld [tilespmem:s1+$0x1030];
	_ =	sdelay $0x1  }
0xb4: {  	v9 =	vld.idx.msk [tilespmem:v9+s21+$0x0], $0xffff  }
0xb5: {  	[tilespmem:s0+$0x7420] =	vst v7;
	v7 =	vld [tilespmem:s0+$0x1040]  }
0xb6: {  	[tilespmem:s31+$0x7430] =	vst v6;
	v6 =	vld [tilespmem:s31+$0x1050]  }
0xb7: {  	v8 =	vld.idx.msk [tilespmem:v8+s21+$0x0], $0xffff  }
0xb8: {  	v5 =	vld.idx.msk [tilespmem:v5+s21+$0x0], $0xffff  }
0xb9: {  	[tilespmem:s1+$0x7420] =	vst v9;
	v9 =	vld [tilespmem:s1+$0x1040]  }
0xba: {  	v10 =	vld.idx.msk [tilespmem:v10+s21+$0x0], $0xffff;
	_ =	sdelay $0x1  }
0xbb: {  	[tilespmem:s0+$0x7430] =	vst v8;
	v8 =	vld [tilespmem:s0+$0x1050]  }
0xbc: {  	v7 =	vld.idx.msk [tilespmem:v7+s21+$0x0], $0xffff  }
0xbd: {  	[tilespmem:s31+$0x7440] =	vst v5;
	v5 =	vld [tilespmem:s31+$0x1060]  }
0xbe: {  	[tilespmem:s1+$0x7430] =	vst v10;
	v10 =	vld [tilespmem:s1+$0x1050]  }
0xbf: {  	v6 =	vld.idx.msk [tilespmem:v6+s21+$0x0], $0xffff  }
0xc0: {  	v9 =	vld.idx.msk [tilespmem:v9+s21+$0x0], $0xffff  }
0xc1: {  	[tilespmem:s0+$0x7440] =	vst v7;
	v7 =	vld [tilespmem:s0+$0x1060];
	_ =	sdelay $0x1  }
0xc2: {  	v8 =	vld.idx.msk [tilespmem:v8+s21+$0x0], $0xffff  }
0xc3: {  	[tilespmem:s31+$0x7450] =	vst v6;
	v6 =	vld [tilespmem:s31+$0x1070]  }
0xc4: {  	[tilespmem:s1+$0x7440] =	vst v9;
	v9 =	vld [tilespmem:s1+$0x1060]  }
0xc5: {  	[tilespmem:s30+$0x7450] =	vst v4;
	v4 =	vld.idx.msk [tilespmem:v10+s21+$0x0], $0xffff  }
0xc6: {  	v5 =	vld.idx.msk [tilespmem:v5+s21+$0x0], $0xffff  }
0xc7: {  	[tilespmem:s0+$0x7450] =	vst v8;
	v8 =	vld [tilespmem:s0+$0x1070]  }
0xc8: {  	v7 =	vld.idx.msk [tilespmem:v7+s21+$0x0], $0xffff  }
0xc9: {  	v10 =	vld [tilespmem:s30+$0x1070]  }
0xca: {  	[tilespmem:s1+$0x7450] =	vst v4;
	v4 =	vld [tilespmem:s1+$0x1070]  }
0xcb: {  	v3 =	vld.idx.msk [tilespmem:v3+s21+$0x0], $0xffff  }
0xcc: {  	v9 =	vld.idx.msk [tilespmem:v9+s21+$0x0], $0xffff;
	_ =	sdelay $0x1  }
0xcd: {  	[tilespmem:s31+$0x7460] =	vst v5  }
0xce: {  	v5 =	vld.idx.msk [tilespmem:v6+s21+$0x0], $0xffff;
	[tilespmem:s0+$0x7460] =	vst v7  }
0xcf: {  	[tilespmem:s30+$0x7460] =	vst v3;
	v6 =	vld.idx.msk [tilespmem:v8+s21+$0x0], $0xffff  }
0xd0: {  	v3 =	vld.idx.msk [tilespmem:v10+s21+$0x0], $0xffff;
	[tilespmem:s1+$0x7460] =	vst v9  }
0xd1: {  	v4 =	vld.idx.msk [tilespmem:v4+s21+$0x0], $0xffff;
	_ =	sdelay $0x1  }
0xd2: {  	[tilespmem:s31+$0x7470] =	vst v5  }
0xd3: {  	[tilespmem:s0+$0x7470] =	vst v6  }
0xd4: {  	[tilespmem:s30+$0x7470] =	vst v3  }
0xd5: {  	s30 =	simm.s32 $0x0;
	[tilespmem:s1+$0x7470] =	vst v4  }
0xd6: {  	[hbm4b:s9+s14] =	stream.strided.scatter [tilespmem:s23], [sflag:$0x3], $0x1C00, s15, s14, $0x38;
	[tilespmem:$0xD840] =	vst v63  }
0xd7: {  	v3 =	vld [tilespmem:s30+$0x2C00];
	_ =	sdelay $0x6  }
0xd8: {  	v4 =	vld [tilespmem:s30+$0x2C10]  }
0xd9: {  	v3 =	vld.idx.msk [tilespmem:v3+s21+$0x0], $0xffff;
	_ =	sdelay $0x1  }
0xda: {  	s31 =	simm.s32 $0x80  }
0xdb: {  	v5 =	vld [tilespmem:s31+$0x2C00];
	_ =	sdelay $0x1  }
0xdc: {  	[tilespmem:s30+$0x9000] =	vst v3;
	v3 =	vld [tilespmem:s30+$0x2C20];
	_ =	sdelay $0x1  }
0xdd: {  	v4 =	vld.idx.msk [tilespmem:v4+s21+$0x0], $0xffff;
	_ =	sdelay $0x2  }
0xde: {  	v6 =	vld [tilespmem:s31+$0x2C10]  }
0xdf: {  	v5 =	vld.idx.msk [tilespmem:v5+s21+$0x0], $0xffff  }
0xe0: {  	[tilespmem:s30+$0x9010] =	vst v4;
	v4 =	vld [tilespmem:s30+$0x2C30]  }
0xe1: {  	v3 =	vld.idx.msk [tilespmem:v3+s21+$0x0], $0xffff;
	_ =	sdelay $0x3  }
0xe2: {  	[tilespmem:s31+$0x9000] =	vst v5;
	v5 =	vld [tilespmem:s31+$0x2C20]  }
0xe3: {  	[tilespmem:s30+$0x9020] =	vst v3;
	v3 =	vld [tilespmem:s30+$0x2C40]  }
0xe4: {  	v6 =	vld.idx.msk [tilespmem:v6+s21+$0x0], $0xffff  }
0xe5: {  	s0 =	simm.s32 $0x100;
	v4 =	vld.idx.msk [tilespmem:v4+s21+$0x0], $0xffff  }
0xe6: {  	v7 =	vld [tilespmem:s0+$0x2C00];
	_ =	sdelay $0x2  }
0xe7: {  	[tilespmem:s31+$0x9010] =	vst v6;
	v6 =	vld [tilespmem:s31+$0x2C30]  }
0xe8: {  	[tilespmem:s30+$0x9030] =	vst v4;
	v4 =	vld [tilespmem:s30+$0x2C50]  }
0xe9: {  	v3 =	vld.idx.msk [tilespmem:v3+s21+$0x0], $0xffff  }
0xea: {  	v5 =	vld.idx.msk [tilespmem:v5+s21+$0x0], $0xffff  }
0xeb: {  	v8 =	vld [tilespmem:s0+$0x2C10]  }
0xec: {  	v7 =	vld.idx.msk [tilespmem:v7+s21+$0x0], $0xffff;
	_ =	sdelay $0x1  }
0xed: {  	[tilespmem:s30+$0x9040] =	vst v3;
	v3 =	vld [tilespmem:s30+$0x2C60]  }
0xee: {  	[tilespmem:s31+$0x9020] =	vst v5;
	v5 =	vld [tilespmem:s31+$0x2C40]  }
0xef: {  	v4 =	vld.idx.msk [tilespmem:v4+s21+$0x0], $0xffff  }
0xf0: {  	[tilespmem:s0+$0x9000] =	vst v7;
	v7 =	vld [tilespmem:s0+$0x2C20]  }
0xf1: {  	v6 =	vld.idx.msk [tilespmem:v6+s21+$0x0], $0xffff  }
0xf2: {  	s2 =	simm.s32 $0x800;
	s1 =	simm.s32 $0x180;
	v8 =	vld.idx.msk [tilespmem:v8+s21+$0x0], $0xffff  }
.LBB2_6:
0xf3: {  	p0 =	sne.s32 s2, $0x6E00;
	v9 =	vld [tilespmem:s1+$0x2C00];
	s16 =	smov.u32 s31;
	s31 =	smov.u32 s0  }
0xf4: {  	s0 =	smov.u32 s1;
	[tilespmem:s30+$0x9050] =	vst v4;
	v4 =	vld [tilespmem:s30+$0x2C70]  }
0xf5: {  	v3 =	vld.idx.msk [tilespmem:v3+s21+$0x0], $0xffff  }
0xf6: {  	[tilespmem:s16+$0x9030] =	vst v6;
	v6 =	vld [tilespmem:s16+$0x2C50]  }
0xf7: {  	v5 =	vld.idx.msk [tilespmem:v5+s21+$0x0], $0xffff  }
0xf8: {  	[tilespmem:s31+$0x9010] =	vst v8;
	v8 =	vld [tilespmem:s31+$0x2C30]  }
0xf9: {  	v7 =	vld.idx.msk [tilespmem:v7+s21+$0x0], $0xffff  }
0xfa: {  	v10 =	vld [tilespmem:s0+$0x2C10]  }
0xfb: {  	v9 =	vld.idx.msk [tilespmem:v9+s21+$0x0], $0xffff;
	[tilespmem:s30+$0x9060] =	vst v3  }
0xfc: {  	v11 =	vld.idx.msk [tilespmem:v4+s21+$0x0], $0xffff  }
0xfd: {  	[tilespmem:s16+$0x9040] =	vst v5;
	v3 =	vld [tilespmem:s16+$0x2C60]  }
.Ltmp2:
0xfe: {  	v4 =	vld.idx.msk [tilespmem:v6+s21+$0x0], $0xffff;
	(pc) =	sbr.rel @p0 .LBB2_6-.Ltmp2, $4  }
0xff: {  	[tilespmem:s31+$0x9020] =	vst v7;
	v5 =	vld [tilespmem:s31+$0x2C40]  }
0x100: {  	v6 =	vld.idx.msk [tilespmem:v8+s21+$0x0], $0xffff  }
0x101: {  	[tilespmem:s0+$0x9000] =	vst v9;
	v7 =	vld [tilespmem:s0+$0x2C20]  }
0x102: {  	s1 =	sshra.s32 s2, $0x2;
	s2 =	sadd.s32 $0x200, s2;
	v8 =	vld.idx.msk [tilespmem:v10+s21+$0x0], $0xffff;
	[tilespmem:s30+$0x9070] =	vst v11;
	s30 =	smov.u32 s16  }
0x103: {  	v9 =	vld [tilespmem:s1+$0x2C00];
	_ =	sdelay $0x5  }
0x104: {  	v10 =	vld [tilespmem:s1+$0x2C10];
	_ =	sdelay $0x1  }
0x105: {  	v9 =	vld.idx.msk [tilespmem:v9+s21+$0x0], $0xffff;
	_ =	sdelay $0x4  }
0x106: {  	[tilespmem:s1+$0x9000] =	vst v9;
	v9 =	vld [tilespmem:s1+$0x2C20]  }
0x107: {  	v10 =	vld.idx.msk [tilespmem:v10+s21+$0x0], $0xffff;
	_ =	sdelay $0x1  }
0x108: {  	[tilespmem:s0+$0x9010] =	vst v8;
	v8 =	vld [tilespmem:s0+$0x2C30]  }
0x109: {  	v7 =	vld.idx.msk [tilespmem:v7+s21+$0x0], $0xffff;
	_ =	sdelay $0x1  }
0x10a: {  	[tilespmem:s1+$0x9010] =	vst v10;
	v10 =	vld [tilespmem:s1+$0x2C30];
	_ =	sdelay $0x1  }
0x10b: {  	v9 =	vld.idx.msk [tilespmem:v9+s21+$0x0], $0xffff  }
0x10c: {  	[tilespmem:s0+$0x9020] =	vst v7;
	v7 =	vld [tilespmem:s0+$0x2C40]  }
0x10d: {  	[tilespmem:s31+$0x9030] =	vst v6;
	v6 =	vld [tilespmem:s31+$0x2C50]  }
0x10e: {  	v8 =	vld.idx.msk [tilespmem:v8+s21+$0x0], $0xffff  }
0x10f: {  	v5 =	vld.idx.msk [tilespmem:v5+s21+$0x0], $0xffff  }
0x110: {  	[tilespmem:s1+$0x9020] =	vst v9;
	v9 =	vld [tilespmem:s1+$0x2C40]  }
0x111: {  	v10 =	vld.idx.msk [tilespmem:v10+s21+$0x0], $0xffff;
	_ =	sdelay $0x1  }
0x112: {  	[tilespmem:s0+$0x9030] =	vst v8;
	v8 =	vld [tilespmem:s0+$0x2C50]  }
0x113: {  	v7 =	vld.idx.msk [tilespmem:v7+s21+$0x0], $0xffff  }
0x114: {  	[tilespmem:s31+$0x9040] =	vst v5;
	v5 =	vld [tilespmem:s31+$0x2C60]  }
0x115: {  	[tilespmem:s1+$0x9030] =	vst v10;
	v10 =	vld [tilespmem:s1+$0x2C50]  }
0x116: {  	v6 =	vld.idx.msk [tilespmem:v6+s21+$0x0], $0xffff  }
0x117: {  	v9 =	vld.idx.msk [tilespmem:v9+s21+$0x0], $0xffff  }
0x118: {  	[tilespmem:s0+$0x9040] =	vst v7;
	v7 =	vld [tilespmem:s0+$0x2C60];
	_ =	sdelay $0x1  }
0x119: {  	v8 =	vld.idx.msk [tilespmem:v8+s21+$0x0], $0xffff  }
0x11a: {  	[tilespmem:s31+$0x9050] =	vst v6;
	v6 =	vld [tilespmem:s31+$0x2C70]  }
0x11b: {  	[tilespmem:s1+$0x9040] =	vst v9;
	v9 =	vld [tilespmem:s1+$0x2C60]  }
0x11c: {  	[tilespmem:s30+$0x9050] =	vst v4;
	v4 =	vld.idx.msk [tilespmem:v10+s21+$0x0], $0xffff  }
0x11d: {  	v5 =	vld.idx.msk [tilespmem:v5+s21+$0x0], $0xffff  }
0x11e: {  	[tilespmem:s0+$0x9050] =	vst v8;
	v8 =	vld [tilespmem:s0+$0x2C70]  }
0x11f: {  	v7 =	vld.idx.msk [tilespmem:v7+s21+$0x0], $0xffff  }
0x120: {  	v10 =	vld [tilespmem:s30+$0x2C70]  }
0x121: {  	[tilespmem:s1+$0x9050] =	vst v4;
	v4 =	vld [tilespmem:s1+$0x2C70]  }
0x122: {  	v3 =	vld.idx.msk [tilespmem:v3+s21+$0x0], $0xffff  }
0x123: {  	v9 =	vld.idx.msk [tilespmem:v9+s21+$0x0], $0xffff;
	_ =	sdelay $0x1  }
0x124: {  	[tilespmem:s31+$0x9060] =	vst v5  }
0x125: {  	v5 =	vld.idx.msk [tilespmem:v6+s21+$0x0], $0xffff;
	[tilespmem:s0+$0x9060] =	vst v7  }
0x126: {  	[tilespmem:s30+$0x9060] =	vst v3;
	v6 =	vld.idx.msk [tilespmem:v8+s21+$0x0], $0xffff  }
0x127: {  	v3 =	vld.idx.msk [tilespmem:v10+s21+$0x0], $0xffff;
	[tilespmem:s1+$0x9060] =	vst v9  }
0x128: {  	v4 =	vld.idx.msk [tilespmem:v4+s21+$0x0], $0xffff;
	_ =	sdelay $0x1  }
0x129: {  	[tilespmem:s31+$0x9070] =	vst v5  }
0x12a: {  	[tilespmem:s0+$0x9070] =	vst v6  }
0x12b: {  	[tilespmem:s30+$0x9070] =	vst v3  }
0x12c: {  	s30 =	simm.s32 $0x0;
	[tilespmem:s1+$0x9070] =	vst v4  }
0x12d: {  	[hbm4b:s10+s14] =	stream.strided.scatter [tilespmem:s24], [sflag:$0x3], $0x1C00, s15, s14, $0x38;
	[tilespmem:$0xD840] =	vst v63  }
0x12e: {  	v3 =	vld [tilespmem:s30+$0x4800];
	_ =	sdelay $0x6  }
0x12f: {  	v4 =	vld [tilespmem:s30+$0x4810]  }
0x130: {  	v3 =	vld.idx.msk [tilespmem:v3+s21+$0x0], $0xffff;
	_ =	sdelay $0x1  }
0x131: {  	s31 =	simm.s32 $0x80  }
0x132: {  	v5 =	vld [tilespmem:s31+$0x4800];
	_ =	sdelay $0x1  }
0x133: {  	[tilespmem:s30+$0xAC00] =	vst v3;
	v3 =	vld [tilespmem:s30+$0x4820];
	_ =	sdelay $0x1  }
0x134: {  	v4 =	vld.idx.msk [tilespmem:v4+s21+$0x0], $0xffff;
	_ =	sdelay $0x2  }
0x135: {  	v6 =	vld [tilespmem:s31+$0x4810]  }
0x136: {  	v5 =	vld.idx.msk [tilespmem:v5+s21+$0x0], $0xffff  }
0x137: {  	[tilespmem:s30+$0xAC10] =	vst v4;
	v4 =	vld [tilespmem:s30+$0x4830]  }
0x138: {  	v3 =	vld.idx.msk [tilespmem:v3+s21+$0x0], $0xffff;
	_ =	sdelay $0x3  }
0x139: {  	[tilespmem:s31+$0xAC00] =	vst v5;
	v5 =	vld [tilespmem:s31+$0x4820]  }
0x13a: {  	[tilespmem:s30+$0xAC20] =	vst v3;
	v3 =	vld [tilespmem:s30+$0x4840]  }
0x13b: {  	v6 =	vld.idx.msk [tilespmem:v6+s21+$0x0], $0xffff  }
0x13c: {  	s0 =	simm.s32 $0x100;
	v4 =	vld.idx.msk [tilespmem:v4+s21+$0x0], $0xffff  }
0x13d: {  	v7 =	vld [tilespmem:s0+$0x4800];
	_ =	sdelay $0x2  }
0x13e: {  	[tilespmem:s31+$0xAC10] =	vst v6;
	v6 =	vld [tilespmem:s31+$0x4830]  }
0x13f: {  	[tilespmem:s30+$0xAC30] =	vst v4;
	v4 =	vld [tilespmem:s30+$0x4850]  }
0x140: {  	v3 =	vld.idx.msk [tilespmem:v3+s21+$0x0], $0xffff  }
0x141: {  	v5 =	vld.idx.msk [tilespmem:v5+s21+$0x0], $0xffff  }
0x142: {  	v8 =	vld [tilespmem:s0+$0x4810]  }
0x143: {  	v7 =	vld.idx.msk [tilespmem:v7+s21+$0x0], $0xffff;
	_ =	sdelay $0x1  }
0x144: {  	[tilespmem:s30+$0xAC40] =	vst v3;
	v3 =	vld [tilespmem:s30+$0x4860]  }
0x145: {  	[tilespmem:s31+$0xAC20] =	vst v5;
	v5 =	vld [tilespmem:s31+$0x4840]  }
0x146: {  	v4 =	vld.idx.msk [tilespmem:v4+s21+$0x0], $0xffff  }
0x147: {  	[tilespmem:s0+$0xAC00] =	vst v7;
	v7 =	vld [tilespmem:s0+$0x4820]  }
0x148: {  	v6 =	vld.idx.msk [tilespmem:v6+s21+$0x0], $0xffff  }
0x149: {  	s2 =	simm.s32 $0x800;
	s1 =	simm.s32 $0x180;
	v8 =	vld.idx.msk [tilespmem:v8+s21+$0x0], $0xffff  }
.LBB2_8:
0x14a: {  	p0 =	sne.s32 s2, $0x5E00;
	v9 =	vld [tilespmem:s1+$0x4800];
	s16 =	smov.u32 s31;
	s31 =	smov.u32 s0  }
0x14b: {  	s0 =	smov.u32 s1;
	[tilespmem:s30+$0xAC50] =	vst v4;
	v4 =	vld [tilespmem:s30+$0x4870]  }
0x14c: {  	v3 =	vld.idx.msk [tilespmem:v3+s21+$0x0], $0xffff  }
0x14d: {  	[tilespmem:s16+$0xAC30] =	vst v6;
	v6 =	vld [tilespmem:s16+$0x4850]  }
0x14e: {  	v5 =	vld.idx.msk [tilespmem:v5+s21+$0x0], $0xffff  }
0x14f: {  	[tilespmem:s31+$0xAC10] =	vst v8;
	v8 =	vld [tilespmem:s31+$0x4830]  }
0x150: {  	v7 =	vld.idx.msk [tilespmem:v7+s21+$0x0], $0xffff  }
0x151: {  	v10 =	vld [tilespmem:s0+$0x4810]  }
0x152: {  	v9 =	vld.idx.msk [tilespmem:v9+s21+$0x0], $0xffff;
	[tilespmem:s30+$0xAC60] =	vst v3  }
0x153: {  	v11 =	vld.idx.msk [tilespmem:v4+s21+$0x0], $0xffff  }
0x154: {  	[tilespmem:s16+$0xAC40] =	vst v5;
	v3 =	vld [tilespmem:s16+$0x4860]  }
.Ltmp3:
0x155: {  	v4 =	vld.idx.msk [tilespmem:v6+s21+$0x0], $0xffff;
	(pc) =	sbr.rel @p0 .LBB2_8-.Ltmp3, $4  }
0x156: {  	[tilespmem:s31+$0xAC20] =	vst v7;
	v5 =	vld [tilespmem:s31+$0x4840]  }
0x157: {  	v6 =	vld.idx.msk [tilespmem:v8+s21+$0x0], $0xffff  }
0x158: {  	[tilespmem:s0+$0xAC00] =	vst v9;
	v7 =	vld [tilespmem:s0+$0x4820]  }
0x159: {  	s1 =	sshra.s32 s2, $0x2;
	s2 =	sadd.s32 $0x200, s2;
	v8 =	vld.idx.msk [tilespmem:v10+s21+$0x0], $0xffff;
	[tilespmem:s30+$0xAC70] =	vst v11;
	s30 =	smov.u32 s16  }
0x15a: {  	v9 =	vld [tilespmem:s1+$0x4800];
	_ =	sdelay $0x5  }
0x15b: {  	v10 =	vld [tilespmem:s1+$0x4810];
	_ =	sdelay $0x1  }
0x15c: {  	v9 =	vld.idx.msk [tilespmem:v9+s21+$0x0], $0xffff;
	_ =	sdelay $0x4  }
0x15d: {  	[tilespmem:s1+$0xAC00] =	vst v9;
	v9 =	vld [tilespmem:s1+$0x4820]  }
0x15e: {  	v10 =	vld.idx.msk [tilespmem:v10+s21+$0x0], $0xffff;
	_ =	sdelay $0x1  }
0x15f: {  	[tilespmem:s0+$0xAC10] =	vst v8;
	v8 =	vld [tilespmem:s0+$0x4830]  }
0x160: {  	v7 =	vld.idx.msk [tilespmem:v7+s21+$0x0], $0xffff;
	_ =	sdelay $0x1  }
0x161: {  	[tilespmem:s1+$0xAC10] =	vst v10;
	v10 =	vld [tilespmem:s1+$0x4830];
	_ =	sdelay $0x1  }
0x162: {  	v9 =	vld.idx.msk [tilespmem:v9+s21+$0x0], $0xffff  }
0x163: {  	[tilespmem:s0+$0xAC20] =	vst v7;
	v7 =	vld [tilespmem:s0+$0x4840]  }
0x164: {  	[tilespmem:s31+$0xAC30] =	vst v6;
	v6 =	vld [tilespmem:s31+$0x4850]  }
0x165: {  	v8 =	vld.idx.msk [tilespmem:v8+s21+$0x0], $0xffff  }
0x166: {  	v5 =	vld.idx.msk [tilespmem:v5+s21+$0x0], $0xffff  }
0x167: {  	[tilespmem:s1+$0xAC20] =	vst v9;
	v9 =	vld [tilespmem:s1+$0x4840]  }
0x168: {  	v10 =	vld.idx.msk [tilespmem:v10+s21+$0x0], $0xffff;
	_ =	sdelay $0x1  }
0x169: {  	[tilespmem:s0+$0xAC30] =	vst v8;
	v8 =	vld [tilespmem:s0+$0x4850]  }
0x16a: {  	v7 =	vld.idx.msk [tilespmem:v7+s21+$0x0], $0xffff  }
0x16b: {  	[tilespmem:s31+$0xAC40] =	vst v5;
	v5 =	vld [tilespmem:s31+$0x4860]  }
0x16c: {  	[tilespmem:s1+$0xAC30] =	vst v10;
	v10 =	vld [tilespmem:s1+$0x4850]  }
0x16d: {  	v6 =	vld.idx.msk [tilespmem:v6+s21+$0x0], $0xffff  }
0x16e: {  	v9 =	vld.idx.msk [tilespmem:v9+s21+$0x0], $0xffff  }
0x16f: {  	[tilespmem:s0+$0xAC40] =	vst v7;
	v7 =	vld [tilespmem:s0+$0x4860];
	_ =	sdelay $0x1  }
0x170: {  	v8 =	vld.idx.msk [tilespmem:v8+s21+$0x0], $0xffff  }
0x171: {  	[tilespmem:s31+$0xAC50] =	vst v6;
	v6 =	vld [tilespmem:s31+$0x4870]  }
0x172: {  	[tilespmem:s1+$0xAC40] =	vst v9;
	v9 =	vld [tilespmem:s1+$0x4860]  }
0x173: {  	[tilespmem:s30+$0xAC50] =	vst v4;
	v4 =	vld.idx.msk [tilespmem:v10+s21+$0x0], $0xffff  }
0x174: {  	v5 =	vld.idx.msk [tilespmem:v5+s21+$0x0], $0xffff  }
0x175: {  	[tilespmem:s0+$0xAC50] =	vst v8;
	v8 =	vld [tilespmem:s0+$0x4870]  }
0x176: {  	v7 =	vld.idx.msk [tilespmem:v7+s21+$0x0], $0xffff  }
0x177: {  	v10 =	vld [tilespmem:s30+$0x4870]  }
0x178: {  	[tilespmem:s1+$0xAC50] =	vst v4;
	v4 =	vld [tilespmem:s1+$0x4870]  }
0x179: {  	v3 =	vld.idx.msk [tilespmem:v3+s21+$0x0], $0xffff  }
0x17a: {  	v9 =	vld.idx.msk [tilespmem:v9+s21+$0x0], $0xffff;
	_ =	sdelay $0x1  }
0x17b: {  	[tilespmem:s31+$0xAC60] =	vst v5  }
0x17c: {  	v5 =	vld.idx.msk [tilespmem:v6+s21+$0x0], $0xffff;
	[tilespmem:s0+$0xAC60] =	vst v7  }
0x17d: {  	[tilespmem:s30+$0xAC60] =	vst v3;
	v6 =	vld.idx.msk [tilespmem:v8+s21+$0x0], $0xffff  }
0x17e: {  	v3 =	vld.idx.msk [tilespmem:v10+s21+$0x0], $0xffff;
	[tilespmem:s1+$0xAC60] =	vst v9  }
0x17f: {  	v4 =	vld.idx.msk [tilespmem:v4+s21+$0x0], $0xffff;
	_ =	sdelay $0x1  }
0x180: {  	[tilespmem:s31+$0xAC70] =	vst v5  }
0x181: {  	[tilespmem:s0+$0xAC70] =	vst v6  }
0x182: {  	[tilespmem:s30+$0xAC70] =	vst v3  }
0x183: {  	s30 =	simm.s32 $0x0;
	[tilespmem:s1+$0xAC70] =	vst v4  }
0x184: {  	[hbm4b:s11+s14] =	stream.strided.scatter [tilespmem:s25], [sflag:$0x3], $0x1800, s15, s14, $0x38;
	[tilespmem:$0xD840] =	vst v63  }
0x185: {  	v3 =	vld [tilespmem:s30+$0x6000];
	_ =	sdelay $0x6  }
0x186: {  	v4 =	vld [tilespmem:s30+$0x6010]  }
0x187: {  	v3 =	vld.idx.msk [tilespmem:v3+s21+$0x0], $0xffff;
	_ =	sdelay $0x1  }
0x188: {  	s31 =	simm.s32 $0x80  }
0x189: {  	v5 =	vld [tilespmem:s31+$0x6000];
	_ =	sdelay $0x1  }
0x18a: {  	[tilespmem:s30+$0xC400] =	vst v3;
	v3 =	vld [tilespmem:s30+$0x6020];
	_ =	sdelay $0x1  }
0x18b: {  	v4 =	vld.idx.msk [tilespmem:v4+s21+$0x0], $0xffff;
	_ =	sdelay $0x2  }
0x18c: {  	v6 =	vld [tilespmem:s31+$0x6010]  }
0x18d: {  	v5 =	vld.idx.msk [tilespmem:v5+s21+$0x0], $0xffff  }
0x18e: {  	[tilespmem:s30+$0xC410] =	vst v4;
	v4 =	vld [tilespmem:s30+$0x6030]  }
0x18f: {  	v3 =	vld.idx.msk [tilespmem:v3+s21+$0x0], $0xffff;
	_ =	sdelay $0x3  }
0x190: {  	[tilespmem:s31+$0xC400] =	vst v5;
	v5 =	vld [tilespmem:s31+$0x6020]  }
0x191: {  	[tilespmem:s30+$0xC420] =	vst v3;
	v3 =	vld [tilespmem:s30+$0x6040]  }
0x192: {  	v6 =	vld.idx.msk [tilespmem:v6+s21+$0x0], $0xffff  }
0x193: {  	s0 =	simm.s32 $0x100;
	v4 =	vld.idx.msk [tilespmem:v4+s21+$0x0], $0xffff  }
0x194: {  	v7 =	vld [tilespmem:s0+$0x6000];
	_ =	sdelay $0x2  }
0x195: {  	[tilespmem:s31+$0xC410] =	vst v6;
	v6 =	vld [tilespmem:s31+$0x6030]  }
0x196: {  	[tilespmem:s30+$0xC430] =	vst v4;
	v4 =	vld [tilespmem:s30+$0x6050]  }
0x197: {  	v3 =	vld.idx.msk [tilespmem:v3+s21+$0x0], $0xffff  }
0x198: {  	v5 =	vld.idx.msk [tilespmem:v5+s21+$0x0], $0xffff  }
0x199: {  	v8 =	vld [tilespmem:s0+$0x6010]  }
0x19a: {  	v7 =	vld.idx.msk [tilespmem:v7+s21+$0x0], $0xffff;
	_ =	sdelay $0x1  }
0x19b: {  	[tilespmem:s30+$0xC440] =	vst v3;
	v3 =	vld [tilespmem:s30+$0x6060]  }
0x19c: {  	[tilespmem:s31+$0xC420] =	vst v5;
	v5 =	vld [tilespmem:s31+$0x6040]  }
0x19d: {  	v4 =	vld.idx.msk [tilespmem:v4+s21+$0x0], $0xffff  }
0x19e: {  	[tilespmem:s0+$0xC400] =	vst v7;
	v7 =	vld [tilespmem:s0+$0x6020]  }
0x19f: {  	v6 =	vld.idx.msk [tilespmem:v6+s21+$0x0], $0xffff  }
0x1a0: {  	s2 =	simm.s32 $0x800;
	s1 =	simm.s32 $0x180;
	v8 =	vld.idx.msk [tilespmem:v8+s21+$0x0], $0xffff  }
.LBB2_10:
0x1a1: {  	p0 =	sne.s32 s2, $0x4E00;
	v9 =	vld [tilespmem:s1+$0x6000];
	s16 =	smov.u32 s31;
	s31 =	smov.u32 s0  }
0x1a2: {  	s0 =	smov.u32 s1;
	[tilespmem:s30+$0xC450] =	vst v4;
	v4 =	vld [tilespmem:s30+$0x6070]  }
0x1a3: {  	v3 =	vld.idx.msk [tilespmem:v3+s21+$0x0], $0xffff  }
0x1a4: {  	[tilespmem:s16+$0xC430] =	vst v6;
	v6 =	vld [tilespmem:s16+$0x6050]  }
0x1a5: {  	v5 =	vld.idx.msk [tilespmem:v5+s21+$0x0], $0xffff  }
0x1a6: {  	[tilespmem:s31+$0xC410] =	vst v8;
	v8 =	vld [tilespmem:s31+$0x6030]  }
0x1a7: {  	v7 =	vld.idx.msk [tilespmem:v7+s21+$0x0], $0xffff  }
0x1a8: {  	v10 =	vld [tilespmem:s0+$0x6010]  }
0x1a9: {  	v9 =	vld.idx.msk [tilespmem:v9+s21+$0x0], $0xffff;
	[tilespmem:s30+$0xC460] =	vst v3  }
0x1aa: {  	v11 =	vld.idx.msk [tilespmem:v4+s21+$0x0], $0xffff  }
0x1ab: {  	[tilespmem:s16+$0xC440] =	vst v5;
	v3 =	vld [tilespmem:s16+$0x6060]  }
.Ltmp4:
0x1ac: {  	v4 =	vld.idx.msk [tilespmem:v6+s21+$0x0], $0xffff;
	(pc) =	sbr.rel @p0 .LBB2_10-.Ltmp4, $4  }
0x1ad: {  	[tilespmem:s31+$0xC420] =	vst v7;
	v5 =	vld [tilespmem:s31+$0x6040]  }
0x1ae: {  	v6 =	vld.idx.msk [tilespmem:v8+s21+$0x0], $0xffff  }
0x1af: {  	[tilespmem:s0+$0xC400] =	vst v9;
	v7 =	vld [tilespmem:s0+$0x6020]  }
0x1b0: {  	s1 =	sshra.s32 s2, $0x2;
	s2 =	sadd.s32 $0x200, s2;
	v8 =	vld.idx.msk [tilespmem:v10+s21+$0x0], $0xffff;
	[tilespmem:s30+$0xC470] =	vst v11;
	s30 =	smov.u32 s16  }
0x1b1: {  	v9 =	vld [tilespmem:s1+$0x6000];
	_ =	sdelay $0x5  }
0x1b2: {  	v10 =	vld [tilespmem:s1+$0x6010];
	_ =	sdelay $0x1  }
0x1b3: {  	v9 =	vld.idx.msk [tilespmem:v9+s21+$0x0], $0xffff;
	_ =	sdelay $0x3  }
0x1b4: {  	v47 =	vld [tilespmem:s1+$0x6020]  }
0x1b5: {  	[tilespmem:s1+$0xC400] =	vst v9  }
0x1b6: {  	v10 =	vld.idx.msk [tilespmem:v10+s21+$0x0], $0xffff;
	_ =	sdelay $0x2  }
0x1b7: {  	v48 =	vld [tilespmem:s0+$0x6030]  }
0x1b8: {  	v49 =	vld [tilespmem:s1+$0x6030];
	[tilespmem:s0+$0xC410] =	vst v8  }
0x1b9: {  	v7 =	vld.idx.msk [tilespmem:v7+s21+$0x0], $0xffff;
	[tilespmem:s1+$0xC410] =	vst v10  }
0x1ba: {  	v9 =	vld.idx.msk [tilespmem:v47+s21+$0x0], $0xffff  }
0x1bb: {  	v50 =	vld [tilespmem:s0+$0x6040]  }
0x1bc: {  	v51 =	vld [tilespmem:s1+$0x6040]  }
0x1bd: {  	v52 =	vld [tilespmem:s31+$0x6050]  }
0x1be: {  	v53 =	vld [tilespmem:s0+$0x6050];
	[tilespmem:s0+$0xC420] =	vst v7  }
0x1bf: {  	v8 =	vld.idx.msk [tilespmem:v48+s21+$0x0], $0xffff;
	[tilespmem:s1+$0xC420] =	vst v9  }
0x1c0: {  	v10 =	vld.idx.msk [tilespmem:v49+s21+$0x0], $0xffff  }
0x1c1: {  	v54 =	vld [tilespmem:s1+$0x6050]  }
0x1c2: {  	v55 =	vld [tilespmem:s31+$0x6060]  }
0x1c3: {  	v56 =	vld [tilespmem:s0+$0x6060];
	[tilespmem:s31+$0xC430] =	vst v6  }
0x1c4: {  	v5 =	vld.idx.msk [tilespmem:v5+s21+$0x0], $0xffff;
	[tilespmem:s0+$0xC430] =	vst v8  }
0x1c5: {  	v7 =	vld.idx.msk [tilespmem:v50+s21+$0x0], $0xffff;
	[tilespmem:s1+$0xC430] =	vst v10  }
0x1c6: {  	v9 =	vld.idx.msk [tilespmem:v51+s21+$0x0], $0xffff  }
0x1c7: {  	v57 =	vld [tilespmem:s1+$0x6060]  }
0x1c8: {  	v59 =	vld [tilespmem:s30+$0x6070]  }
0x1c9: {  	v60 =	vld [tilespmem:s31+$0x6070];
	[tilespmem:s31+$0xC440] =	vst v5  }
0x1ca: {  	v6 =	vld.idx.msk [tilespmem:v52+s21+$0x0], $0xffff;
	[tilespmem:s0+$0xC440] =	vst v7  }
0x1cb: {  	v8 =	vld.idx.msk [tilespmem:v53+s21+$0x0], $0xffff;
	[tilespmem:s1+$0xC440] =	vst v9  }
0x1cc: {  	v58 =	vld.idx.msk [tilespmem:v54+s21+$0x0], $0xffff  }
0x1cd: {  	v61 =	vld [tilespmem:s0+$0x6070]  }
0x1ce: {  	[tilespmem:s30+$0xC450] =	vst v4;
	v62 =	vld [tilespmem:s1+$0x6070]  }
0x1cf: {  	v3 =	vld.idx.msk [tilespmem:v3+s21+$0x0], $0xffff;
	[tilespmem:s31+$0xC450] =	vst v6  }
0x1d0: {  	v5 =	vld.idx.msk [tilespmem:v55+s21+$0x0], $0xffff;
	[tilespmem:s0+$0xC450] =	vst v8  }
0x1d1: {  	v7 =	vld.idx.msk [tilespmem:v56+s21+$0x0], $0xffff;
	[tilespmem:s1+$0xC450] =	vst v58  }
0x1d2: {  	v9 =	vld.idx.msk [tilespmem:v57+s21+$0x0], $0xffff;
	_ =	sdelay $0x1  }
0x1d3: {  	[tilespmem:s30+$0xC460] =	vst v3  }
0x1d4: {  	v3 =	vld.idx.msk [tilespmem:v59+s21+$0x0], $0xffff;
	[tilespmem:s31+$0xC460] =	vst v5  }
0x1d5: {  	v5 =	vld.idx.msk [tilespmem:v60+s21+$0x0], $0xffff;
	[tilespmem:s0+$0xC460] =	vst v7  }
0x1d6: {  	v63 =	vld.idx.msk [tilespmem:v61+s21+$0x0], $0xffff;
	[tilespmem:s1+$0xC460] =	vst v9  }
0x1d7: {  	v4 =	vld.idx.msk [tilespmem:v62+s21+$0x0], $0xffff;
	_ =	sdelay $0x1  }
0x1d8: {  	[tilespmem:s30+$0xC470] =	vst v3  }
0x1d9: {  	[tilespmem:s31+$0xC470] =	vst v5  }
0x1da: {  	[tilespmem:s0+$0xC470] =	vst v63  }
0x1db: {  	[tilespmem:s1+$0xC470] =	vst v4  }
0x1dc: {  	[hbm4b:s12+s14] =	stream.strided.scatter [tilespmem:s26], [sflag:$0x3], $0x1400, s15, s14, $0x38;
	[tilespmem:$0xD840] =	vst v63  }
0x1dd: {  	_ =	swait.ge [sflag:s28], $0x1C00  }
0x1de: {  	[sflag:s28] =	ssyncset.done $0x0  }
0x1df: {  	[sflag:s28] =	ssyncadd.s32 $0xFFFFE400  }
0x1e0: {  	_ =	swait.ge [sflag:s28], $0x1C00  }
0x1e1: {  	[sflag:s28] =	ssyncset.done $0x0  }
0x1e2: {  	s29 =	sadd.s32 $0x1, s29;
	[sflag:s28] =	ssyncadd.s32 $0xFFFFE400  }
0x1e3: {  	p0 =	sne.s32 s29, s13;
	_ =	swait.ge [sflag:s28], $0x1800  }
.Ltmp5:
0x1e4: {  	[sflag:s28] =	ssyncset.done $0x0;
	(pc) =	sbr.rel @p0 .LBB2_1-.Ltmp5, $4  }
0x1e5: {  	[sflag:s28] =	ssyncadd.s32 $0xFFFFE800  }
0x1e6: {  	_ =	swait.ge [sflag:s28], $0x1400  }
0x1e7: {  	[sflag:s28] =	ssyncset.done $0x0  }
0x1e8: {  	[sflag:s28] =	ssyncadd.s32 $0xFFFFEC00  }
0x1e9: {  	_ =	sfence.sel $0x180000  }
0x1ea: {  	[bflag:$0x0] =	sbarrier.arrive $0xFFFF  }
0x1eb: {  	_ =	strace $0x90000047  }
0x1ec: {  	s0 =	stileid.u32;
	[bflag:$0x2] =	sbarrier.arrive $0xFFFF  }
0x1ed: {  	p0 =	sne.s32 s0, $0x0;
	s0 =	rddreg [dreg:$0x4]  }
0x1ee: {  	s0 =	sadd.s32 @!p0 $0x100000, s0  }
0x1ef: {  	[sflag:s0] =	ssyncadd.tile.s32 @!p0 $0x1;
	_ =	shalt  }
.Lfunc_end2:
_tile_overlayer_lowered:
.L_overlay_start_2:
0x1f0: {  	(tag) =	ssettag $0x2  }
0x1f1: {  	s0 =	rddreg [dreg:$0x0];
	s2 =	stileid.u32  }
0x1f2: {  	s1 =	rddreg [dreg:$0x1];
	p0 =	sne.s32 s2, $0x0  }
0x1f3: {  	s3 =	rddreg [dreg:$0x2];
	[bflag:$0x3] =	sbarrier.arrive $0xFFFF;
	s2 =	simm.s32 @!p0 $0x1C04  }
0x1f4: {  	[timem:s3], [sflag:s2] =	dma.local @!p0 [hbm:s0], s1  }
0x1f5: {  	s0 =	simm.s32 @!p0 $0x4  }
0x1f6: {  	_ =	swait.ge @!p0 [sflag:s0], s1  }
0x1f7: {  	s1 =	ssub.s32 @!p0 $0x0, s1;
	[sflag:s0] =	ssyncset.done @!p0 $0x0  }
0x1f8: {  	[sflag:s0] =	ssyncadd.s32 @!p0 s1  }
0x1f9: {  	[bflag:$0x3] =	sbarrier.arrive $0xFFFF  }
0x1fa: {  	_ =	shalt  }

</sc_bundles>
